<compile_context>
chip_gen: v7x
topology: tpu7x:2x2x1
jax: 0.10.2.dev20260603
libtpu: 0.0.44.dev20260713+nightly
codegen_flags: <defaults>
</compile_context>

<pallas_src>
import jax
import jax.numpy as jnp
from jax import lax
from jax.experimental import pallas as pl
from jax.experimental.pallas import tpu as pltpu
from jax.experimental.pallas import tpu_sc as plsc

_NUM_CLASSES = 100000
_FEAT_DIM = 64
_BATCH = 16384

_NC = 2
_NS = 16
_NW = _NC * _NS
_DPW = _FEAT_DIM // _NW
_SUB = 4096
_NSUB = _BATCH // _SUB
_L = 16


def _center_loss_body(labels_hbm, ft_hbm, ct_hbm, out_hbm,
                      crow_v, lab_v, frow_v, acc_v, csem, fsem, lsem):
    wid = lax.axis_index("s") * _NC + lax.axis_index("c")

    lcopy = pltpu.async_copy(labels_hbm.at[...], lab_v, lsem)

    accs = tuple(jnp.zeros((_L,), jnp.float32) for _ in range(8))
    for u in range(_DPW):
        d = wid * _DPW + u
        ccopy = pltpu.async_copy(ct_hbm.at[d, :], crow_v, csem)

        def fcopy(ch):
            return pltpu.async_copy(
                ft_hbm.at[d, pl.ds(ch * _SUB, _SUB)], frow_v.at[ch % 2], fsem)

        pending = [fcopy(0), fcopy(1)]
        if u == 0:
            lcopy.wait()
        ccopy.wait()
        for ch in range(_NSUB):
            pending[ch].wait()

            def grp_body(g, accs):
                lv = lab_v[pl.ds(ch * _SUB + g * _L, _L)]
                cv = plsc.load_gather(crow_v, [lv])
                fv = frow_v[ch % 2, pl.ds(g * _L, _L)]
                dd = fv - cv
                return accs[1:] + (accs[0] + dd * dd,)

            accs = lax.fori_loop(0, _SUB // _L, grp_body, accs, unroll=8)
            if ch + 2 < _NSUB:
                pending.append(fcopy(ch + 2))

    acc = accs[0]
    for a in accs[1:]:
        acc = acc + a
    acc_v[...] = acc
    pltpu.sync_copy(acc_v, out_hbm.at[wid])


@jax.jit
def _center_loss_sc(labels, features, centers):
    ct = centers.T
    ft = features.T
    mesh = plsc.VectorSubcoreMesh(core_axis_name="c", subcore_axis_name="s")
    partials = pl.kernel(
        _center_loss_body,
        mesh=mesh,
        compiler_params=pltpu.CompilerParams(needs_layout_passes=False),
        out_type=jax.ShapeDtypeStruct((_NW, _L), jnp.float32),
        scratch_types=[
            pltpu.VMEM((_NUM_CLASSES,), jnp.float32),
            pltpu.VMEM((_BATCH,), jnp.int32),
            pltpu.VMEM((2, _SUB), jnp.float32),
            pltpu.VMEM((_L,), jnp.float32),
            pltpu.SemaphoreType.DMA,
            pltpu.SemaphoreType.DMA,
            pltpu.SemaphoreType.DMA,
        ],
    )(labels, ft, ct)
    return jnp.sum(partials) * (0.5 / _BATCH)


def kernel(features, labels, centers):
    return _center_loss_sc(labels.astype(jnp.int32), features, centers)

# --- scband reference (transcript-rebuilt; emitter-appended) ---
"""Pipeline reference for scband-center-loss-19232863551582 (READ-ONLY COPY).

The authoritative reference and input builder live on the scoring server;
editing this copy changes nothing except your own understanding.
"""

import jax, jax.numpy as jnp
import numpy as np

NUM_CLASSES = 100000
FEAT_DIM = 64
BATCH = 16384

def setup_inputs(seed: int = 0) -> dict:
    key = jax.random.key(seed)
    k1, k2, k3 = jax.random.split(key, 3)
    features = jax.random.normal(k1, (BATCH, FEAT_DIM), dtype=jnp.float32)
    labels = jax.random.randint(k2, (BATCH,), 0, NUM_CLASSES, dtype=jnp.int64 if jax.config.jax_enable_x64 else jnp.int32)
    centers = jax.random.normal(k3, (NUM_CLASSES, FEAT_DIM), dtype=jnp.float32)
    return {"features": features, "labels": labels, "centers": centers}

def reference(features, labels, centers):
    # centers_batch = centers[labels]  (gather)
    centers_batch = jnp.take(centers, labels, axis=0)
    diff = features - centers_batch
    loss = jnp.mean(jnp.sum(diff ** 2, axis=1) / 2.0)
    return loss

if __name__ == "__main__":
    import jax
    _d = setup_inputs()
    print(jax.jit(kernel)(*tuple(_d.values())))

</pallas_src>

<mosaic_0001>
#map = affine_map<(d0, d1) -> (0)>
#map1 = affine_map<(d0, d1) -> (0, 0)>
module attributes {stable_mosaic.version = 14 : i64} {
  func.func @_center_loss_body(%arg0: i32, %arg1: i32, %arg2: memref<16384xi32, #tpu.memory_space<hbm>>, %arg3: memref<64x16384xf32, #tpu.memory_space<hbm>>, %arg4: memref<64x100000xf32, #tpu.memory_space<hbm>>, %arg5: memref<32x16xf32, #tpu.memory_space<hbm>>, %arg6: memref<100000xf32, #tpu.memory_space<vmem>>, %arg7: memref<16384xi32, #tpu.memory_space<vmem>>, %arg8: memref<2x4096xf32, #tpu.memory_space<vmem>>, %arg9: memref<16xf32, #tpu.memory_space<vmem>>, %arg10: memref<!tpu.dma_semaphore, #tpu.memory_space<semaphore_mem>>, %arg11: memref<!tpu.dma_semaphore, #tpu.memory_space<semaphore_mem>>, %arg12: memref<!tpu.dma_semaphore, #tpu.memory_space<semaphore_mem>>) attributes {dimension_semantics = [#tpu.dimension_semantics<core_parallel>, #tpu.dimension_semantics<subcore_parallel>], iteration_bounds = array<i64: 2, 16>, scalar_prefetch = 0 : i64, scratch_operands = 7 : i64, tpu.core_type = #tpu.core_type<sc_vector_subcore>, window_params = [{transform_indices = #map}, {transform_indices = #map1}, {transform_indices = #map1}, {transform_indices = #map1}]} {
    %mul3A = arith.constant 2 : i32
    %mul3A_0 = arith.muli %arg1, %mul3A : i32
    %add3A = arith.addi %mul3A_0, %arg0 : i32
    %dma_start3A = arith.constant 0 : i32
    %dma_start3A_1 = tpu.memref_slice %arg2[%dma_start3A] : memref<16384xi32, #tpu.memory_space<hbm>> -> memref<16384xi32, #tpu.memory_space<hbm>>
    %dma_start3A_2 = arith.constant 0 : i32
    %dma_start3A_3 = tpu.memref_slice %arg2[%dma_start3A_2] : memref<16384xi32, #tpu.memory_space<hbm>> -> memref<16384xi32, #tpu.memory_space<hbm>>
    tpu.enqueue_dma source(%dma_start3A_3 : memref<16384xi32, #tpu.memory_space<hbm>>) target(%arg7 : memref<16384xi32, #tpu.memory_space<vmem>>) target_semaphore(%arg12 : memref<!tpu.dma_semaphore, #tpu.memory_space<semaphore_mem>>)
    %broadcast_in_dim3A = arith.constant 0.000000e+00 : f32
    %broadcast_in_dim3A_4 = vector.broadcast %broadcast_in_dim3A : f32 to vector<16xf32>
    %broadcast_in_dim3A_5 = arith.constant 0.000000e+00 : f32
    %broadcast_in_dim3A_6 = vector.broadcast %broadcast_in_dim3A_5 : f32 to vector<16xf32>
    %broadcast_in_dim3A_7 = arith.constant 0.000000e+00 : f32
    %broadcast_in_dim3A_8 = vector.broadcast %broadcast_in_dim3A_7 : f32 to vector<16xf32>
    %broadcast_in_dim3A_9 = arith.constant 0.000000e+00 : f32
    %broadcast_in_dim3A_10 = vector.broadcast %broadcast_in_dim3A_9 : f32 to vector<16xf32>
    %broadcast_in_dim3A_11 = arith.constant 0.000000e+00 : f32
    %broadcast_in_dim3A_12 = vector.broadcast %broadcast_in_dim3A_11 : f32 to vector<16xf32>
    %broadcast_in_dim3A_13 = arith.constant 0.000000e+00 : f32
    %broadcast_in_dim3A_14 = vector.broadcast %broadcast_in_dim3A_13 : f32 to vector<16xf32>
    %broadcast_in_dim3A_15 = arith.constant 0.000000e+00 : f32
    %broadcast_in_dim3A_16 = vector.broadcast %broadcast_in_dim3A_15 : f32 to vector<16xf32>
    %broadcast_in_dim3A_17 = arith.constant 0.000000e+00 : f32
    %broadcast_in_dim3A_18 = vector.broadcast %broadcast_in_dim3A_17 : f32 to vector<16xf32>
    %mul3A_19 = arith.constant 2 : i32
    %mul3A_20 = arith.muli %add3A, %mul3A_19 : i32
    %add3A_21 = arith.constant 0 : i32
    %add3A_22 = arith.addi %mul3A_20, %add3A_21 : i32
    %dma_start3A_23 = arith.constant 0 : i32
    %dma_start3A_24 = tpu.memref_slice %arg4[%add3A_22, %dma_start3A_23] : memref<64x100000xf32, #tpu.memory_space<hbm>> -> memref<1x100000xf32, #tpu.memory_space<hbm>>
    %dma_start3A_25 = tpu.memref_squeeze %dma_start3A_24 : memref<1x100000xf32, #tpu.memory_space<hbm>> -> memref<100000xf32, #tpu.memory_space<hbm>>
    %dma_start3A_26 = arith.constant 0 : i32
    %dma_start3A_27 = tpu.memref_slice %arg4[%add3A_22, %dma_start3A_26] : memref<64x100000xf32, #tpu.memory_space<hbm>> -> memref<1x100000xf32, #tpu.memory_space<hbm>>
    %dma_start3A_28 = tpu.memref_squeeze %dma_start3A_27 : memref<1x100000xf32, #tpu.memory_space<hbm>> -> memref<100000xf32, #tpu.memory_space<hbm>>
    tpu.enqueue_dma source(%dma_start3A_28 : memref<100000xf32, #tpu.memory_space<hbm>>) target(%arg6 : memref<100000xf32, #tpu.memory_space<vmem>>) target_semaphore(%arg10 : memref<!tpu.dma_semaphore, #tpu.memory_space<semaphore_mem>>)
    %dma_start3A_29 = arith.constant 0 : i32
    %dma_start3A_30 = arith.constant 0 : i32
    %dma_start3A_31 = tpu.memref_slice %arg8[%dma_start3A_29, %dma_start3A_30] : memref<2x4096xf32, #tpu.memory_space<vmem>> -> memref<1x4096xf32, #tpu.memory_space<vmem>>
    %dma_start3A_32 = tpu.memref_squeeze %dma_start3A_31 : memref<1x4096xf32, #tpu.memory_space<vmem>> -> memref<4096xf32, #tpu.memory_space<vmem>>
    %dma_start3A_33 = arith.constant 0 : i32
    %dma_start3A_34 = tpu.memref_slice %arg3[%add3A_22, %dma_start3A_33] : memref<64x16384xf32, #tpu.memory_space<hbm>> -> memref<1x4096xf32, #tpu.memory_space<hbm>>
    %dma_start3A_35 = tpu.memref_squeeze %dma_start3A_34 : memref<1x4096xf32, #tpu.memory_space<hbm>> -> memref<4096xf32, #tpu.memory_space<hbm>>
    %dma_start3A_36 = arith.constant 0 : i32
    %dma_start3A_37 = tpu.memref_slice %arg8[%dma_start3A_29, %dma_start3A_36] : memref<2x4096xf32, #tpu.memory_space<vmem>> -> memref<1x4096xf32, #tpu.memory_space<vmem>>
    %dma_start3A_38 = tpu.memref_squeeze %dma_start3A_37 : memref<1x4096xf32, #tpu.memory_space<vmem>> -> memref<4096xf32, #tpu.memory_space<vmem>>
    %dma_start3A_39 = arith.constant 0 : i32
    %dma_start3A_40 = tpu.memref_slice %arg3[%add3A_22, %dma_start3A_39] : memref<64x16384xf32, #tpu.memory_space<hbm>> -> memref<1x4096xf32, #tpu.memory_space<hbm>>
    %dma_start3A_41 = tpu.memref_squeeze %dma_start3A_40 : memref<1x4096xf32, #tpu.memory_space<hbm>> -> memref<4096xf32, #tpu.memory_space<hbm>>
    tpu.enqueue_dma source(%dma_start3A_41 : memref<4096xf32, #tpu.memory_space<hbm>>) target(%dma_start3A_38 : memref<4096xf32, #tpu.memory_space<vmem>>) target_semaphore(%arg11 : memref<!tpu.dma_semaphore, #tpu.memory_space<semaphore_mem>>)
    %dma_start3A_42 = arith.constant 1 : i32
    %dma_start3A_43 = arith.constant 0 : i32
    %dma_start3A_44 = tpu.memref_slice %arg8[%dma_start3A_42, %dma_start3A_43] : memref<2x4096xf32, #tpu.memory_space<vmem>> -> memref<1x4096xf32, #tpu.memory_space<vmem>>
    %dma_start3A_45 = tpu.memref_squeeze %dma_start3A_44 : memref<1x4096xf32, #tpu.memory_space<vmem>> -> memref<4096xf32, #tpu.memory_space<vmem>>
    %dma_start3A_46 = arith.constant 4096 : i32
    %dma_start3A_47 = tpu.memref_slice %arg3[%add3A_22, %dma_start3A_46] : memref<64x16384xf32, #tpu.memory_space<hbm>> -> memref<1x4096xf32, #tpu.memory_space<hbm>>
    %dma_start3A_48 = tpu.memref_squeeze %dma_start3A_47 : memref<1x4096xf32, #tpu.memory_space<hbm>> -> memref<4096xf32, #tpu.memory_space<hbm>>
    %dma_start3A_49 = arith.constant 0 : i32
    %dma_start3A_50 = tpu.memref_slice %arg8[%dma_start3A_42, %dma_start3A_49] : memref<2x4096xf32, #tpu.memory_space<vmem>> -> memref<1x4096xf32, #tpu.memory_space<vmem>>
    %dma_start3A_51 = tpu.memref_squeeze %dma_start3A_50 : memref<1x4096xf32, #tpu.memory_space<vmem>> -> memref<4096xf32, #tpu.memory_space<vmem>>
    %dma_start3A_52 = arith.constant 4096 : i32
    %dma_start3A_53 = tpu.memref_slice %arg3[%add3A_22, %dma_start3A_52] : memref<64x16384xf32, #tpu.memory_space<hbm>> -> memref<1x4096xf32, #tpu.memory_space<hbm>>
    %dma_start3A_54 = tpu.memref_squeeze %dma_start3A_53 : memref<1x4096xf32, #tpu.memory_space<hbm>> -> memref<4096xf32, #tpu.memory_space<hbm>>
    tpu.enqueue_dma source(%dma_start3A_54 : memref<4096xf32, #tpu.memory_space<hbm>>) target(%dma_start3A_51 : memref<4096xf32, #tpu.memory_space<vmem>>) target_semaphore(%arg11 : memref<!tpu.dma_semaphore, #tpu.memory_space<semaphore_mem>>)
    %dma_wait3A = arith.constant 0 : i32
    %dma_wait3A_55 = tpu.memref_slice %arg2[%dma_wait3A] : memref<16384xi32, #tpu.memory_space<hbm>> -> memref<16384xi32, #tpu.memory_space<hbm>>
    %dma_wait3A_56 = arith.constant 0 : i32
    %dma_wait3A_57 = tpu.memref_slice %arg2[%dma_wait3A_56] : memref<16384xi32, #tpu.memory_space<hbm>> -> memref<16384xi32, #tpu.memory_space<hbm>>
    tpu.wait_dma2 semaphore(%arg12 : memref<!tpu.dma_semaphore, #tpu.memory_space<semaphore_mem>>) src(%dma_wait3A_57 : memref<16384xi32, #tpu.memory_space<hbm>>) dst(%arg7 : memref<16384xi32, #tpu.memory_space<vmem>>)
    %dma_wait3A_58 = arith.constant 0 : i32
    %dma_wait3A_59 = tpu.memref_slice %arg4[%add3A_22, %dma_wait3A_58] : memref<64x100000xf32, #tpu.memory_space<hbm>> -> memref<1x100000xf32, #tpu.memory_space<hbm>>
    %dma_wait3A_60 = tpu.memref_squeeze %dma_wait3A_59 : memref<1x100000xf32, #tpu.memory_space<hbm>> -> memref<100000xf32, #tpu.memory_space<hbm>>
    %dma_wait3A_61 = arith.constant 0 : i32
    %dma_wait3A_62 = tpu.memref_slice %arg4[%add3A_22, %dma_wait3A_61] : memref<64x100000xf32, #tpu.memory_space<hbm>> -> memref<1x100000xf32, #tpu.memory_space<hbm>>
    %dma_wait3A_63 = tpu.memref_squeeze %dma_wait3A_62 : memref<1x100000xf32, #tpu.memory_space<hbm>> -> memref<100000xf32, #tpu.memory_space<hbm>>
    tpu.wait_dma2 semaphore(%arg10 : memref<!tpu.dma_semaphore, #tpu.memory_space<semaphore_mem>>) src(%dma_wait3A_63 : memref<100000xf32, #tpu.memory_space<hbm>>) dst(%arg6 : memref<100000xf32, #tpu.memory_space<vmem>>)
    %dma_wait3A_64 = arith.constant 0 : i32
    %dma_wait3A_65 = arith.constant 0 : i32
    %dma_wait3A_66 = tpu.memref_slice %arg8[%dma_wait3A_64, %dma_wait3A_65] : memref<2x4096xf32, #tpu.memory_space<vmem>> -> memref<1x4096xf32, #tpu.memory_space<vmem>>
    %dma_wait3A_67 = tpu.memref_squeeze %dma_wait3A_66 : memref<1x4096xf32, #tpu.memory_space<vmem>> -> memref<4096xf32, #tpu.memory_space<vmem>>
    %dma_wait3A_68 = arith.constant 0 : i32
    %dma_wait3A_69 = tpu.memref_slice %arg3[%add3A_22, %dma_wait3A_68] : memref<64x16384xf32, #tpu.memory_space<hbm>> -> memref<1x4096xf32, #tpu.memory_space<hbm>>
    %dma_wait3A_70 = tpu.memref_squeeze %dma_wait3A_69 : memref<1x4096xf32, #tpu.memory_space<hbm>> -> memref<4096xf32, #tpu.memory_space<hbm>>
    %dma_wait3A_71 = arith.constant 0 : i32
    %dma_wait3A_72 = tpu.memref_slice %arg8[%dma_wait3A_64, %dma_wait3A_71] : memref<2x4096xf32, #tpu.memory_space<vmem>> -> memref<1x4096xf32, #tpu.memory_space<vmem>>
    %dma_wait3A_73 = tpu.memref_squeeze %dma_wait3A_72 : memref<1x4096xf32, #tpu.memory_space<vmem>> -> memref<4096xf32, #tpu.memory_space<vmem>>
    %dma_wait3A_74 = arith.constant 0 : i32
    %dma_wait3A_75 = tpu.memref_slice %arg3[%add3A_22, %dma_wait3A_74] : memref<64x16384xf32, #tpu.memory_space<hbm>> -> memref<1x4096xf32, #tpu.memory_space<hbm>>
    %dma_wait3A_76 = tpu.memref_squeeze %dma_wait3A_75 : memref<1x4096xf32, #tpu.memory_space<hbm>> -> memref<4096xf32, #tpu.memory_space<hbm>>
    tpu.wait_dma2 semaphore(%arg11 : memref<!tpu.dma_semaphore, #tpu.memory_space<semaphore_mem>>) src(%dma_wait3A_76 : memref<4096xf32, #tpu.memory_space<hbm>>) dst(%dma_wait3A_73 : memref<4096xf32, #tpu.memory_space<vmem>>)
    %scan3A = arith.constant 0 : i32
    %scan3A_77 = arith.constant 256 : i32
    %scan3A_78 = arith.addi %scan3A, %scan3A_77 : i32
    %scan3A_79 = arith.constant 8 : i32
    %scan3A_80:8 = scf.for %scan3A_317 = %scan3A to %scan3A_78 step %scan3A_79 iter_args(%scan3A_318 = %broadcast_in_dim3A_4, %scan3A_319 = %broadcast_in_dim3A_6, %scan3A_320 = %broadcast_in_dim3A_8, %scan3A_321 = %broadcast_in_dim3A_10, %scan3A_322 = %broadcast_in_dim3A_12, %scan3A_323 = %broadcast_in_dim3A_14, %scan3A_324 = %broadcast_in_dim3A_16, %scan3A_325 = %broadcast_in_dim3A_18) -> (vector<16xf32>, vector<16xf32>, vector<16xf32>, vector<16xf32>, vector<16xf32>, vector<16xf32>, vector<16xf32>, vector<16xf32>)  : i32 {
      %mul3A_326 = arith.constant 16 : i32
      %mul3A_327 = arith.muli %scan3A_317, %mul3A_326 : i32
      %add3A_328 = arith.constant 0 : i32
      %add3A_329 = arith.addi %add3A_328, %mul3A_327 : i32
      %get3A = arith.index_cast %add3A_329 : i32 to index
      %get3A_330 = tpu.vector_load %arg7[%get3A] {strides = array<i32>} : memref<16384xi32, #tpu.memory_space<vmem>>, vector<16xi32>,
      %gather3A = tpu.vector_load_idx %arg6[%get3A_330] : memref<100000xf32, #tpu.memory_space<vmem>>[vector<16xi32>], vector<16xf32>,
      %mul3A_331 = arith.constant 16 : i32
      %mul3A_332 = arith.muli %scan3A_317, %mul3A_331 : i32
      %get3A_333 = arith.constant 0 : i32
      %get3A_334 = arith.index_cast %get3A_333 : i32 to index
      %get3A_335 = arith.index_cast %mul3A_332 : i32 to index
      %get3A_336 = tpu.vector_load %arg8[%get3A_334, %get3A_335] {strides = array<i32>} : memref<2x4096xf32, #tpu.memory_space<vmem>>, vector<16xf32>,
      %sub3A = arith.subf %get3A_336, %gather3A : vector<16xf32>
      %mul3A_337 = arith.mulf %sub3A, %sub3A : vector<16xf32>
      %add3A_338 = arith.addf %scan3A_318, %mul3A_337 : vector<16xf32>
      %scan3A_339 = arith.constant 1 : i32
      %scan3A_340 = arith.addi %scan3A_317, %scan3A_339 : i32
      %mul3A_341 = arith.constant 16 : i32
      %mul3A_342 = arith.muli %scan3A_340, %mul3A_341 : i32
      %add3A_343 = arith.constant 0 : i32
      %add3A_344 = arith.addi %add3A_343, %mul3A_342 : i32
      %get3A_345 = arith.index_cast %add3A_344 : i32 to index
      %get3A_346 = tpu.vector_load %arg7[%get3A_345] {strides = array<i32>} : memref<16384xi32, #tpu.memory_space<vmem>>, vector<16xi32>,
      %gather3A_347 = tpu.vector_load_idx %arg6[%get3A_346] : memref<100000xf32, #tpu.memory_space<vmem>>[vector<16xi32>], vector<16xf32>,
      %mul3A_348 = arith.constant 16 : i32
      %mul3A_349 = arith.muli %scan3A_340, %mul3A_348 : i32
      %get3A_350 = arith.constant 0 : i32
      %get3A_351 = arith.index_cast %get3A_350 : i32 to index
      %get3A_352 = arith.index_cast %mul3A_349 : i32 to index
      %get3A_353 = tpu.vector_load %arg8[%get3A_351, %get3A_352] {strides = array<i32>} : memref<2x4096xf32, #tpu.memory_space<vmem>>, vector<16xf32>,
      %sub3A_354 = arith.subf %get3A_353, %gather3A_347 : vector<16xf32>
      %mul3A_355 = arith.mulf %sub3A_354, %sub3A_354 : vector<16xf32>
      %add3A_356 = arith.addf %scan3A_319, %mul3A_355 : vector<16xf32>
      %scan3A_357 = arith.constant 2 : i32
      %scan3A_358 = arith.addi %scan3A_317, %scan3A_357 : i32
      %mul3A_359 = arith.constant 16 : i32
      %mul3A_360 = arith.muli %scan3A_358, %mul3A_359 : i32
      %add3A_361 = arith.constant 0 : i32
      %add3A_362 = arith.addi %add3A_361, %mul3A_360 : i32
      %get3A_363 = arith.index_cast %add3A_362 : i32 to index
      %get3A_364 = tpu.vector_load %arg7[%get3A_363] {strides = array<i32>} : memref<16384xi32, #tpu.memory_space<vmem>>, vector<16xi32>,
      %gather3A_365 = tpu.vector_load_idx %arg6[%get3A_364] : memref<100000xf32, #tpu.memory_space<vmem>>[vector<16xi32>], vector<16xf32>,
      %mul3A_366 = arith.constant 16 : i32
      %mul3A_367 = arith.muli %scan3A_358, %mul3A_366 : i32
      %get3A_368 = arith.constant 0 : i32
      %get3A_369 = arith.index_cast %get3A_368 : i32 to index
      %get3A_370 = arith.index_cast %mul3A_367 : i32 to index
      %get3A_371 = tpu.vector_load %arg8[%get3A_369, %get3A_370] {strides = array<i32>} : memref<2x4096xf32, #tpu.memory_space<vmem>>, vector<16xf32>,
      %sub3A_372 = arith.subf %get3A_371, %gather3A_365 : vector<16xf32>
      %mul3A_373 = arith.mulf %sub3A_372, %sub3A_372 : vector<16xf32>
      %add3A_374 = arith.addf %scan3A_320, %mul3A_373 : vector<16xf32>
      %scan3A_375 = arith.constant 3 : i32
      %scan3A_376 = arith.addi %scan3A_317, %scan3A_375 : i32
      %mul3A_377 = arith.constant 16 : i32
      %mul3A_378 = arith.muli %scan3A_376, %mul3A_377 : i32
      %add3A_379 = arith.constant 0 : i32
      %add3A_380 = arith.addi %add3A_379, %mul3A_378 : i32
      %get3A_381 = arith.index_cast %add3A_380 : i32 to index
      %get3A_382 = tpu.vector_load %arg7[%get3A_381] {strides = array<i32>} : memref<16384xi32, #tpu.memory_space<vmem>>, vector<16xi32>,
      %gather3A_383 = tpu.vector_load_idx %arg6[%get3A_382] : memref<100000xf32, #tpu.memory_space<vmem>>[vector<16xi32>], vector<16xf32>,
      %mul3A_384 = arith.constant 16 : i32
      %mul3A_385 = arith.muli %scan3A_376, %mul3A_384 : i32
      %get3A_386 = arith.constant 0 : i32
      %get3A_387 = arith.index_cast %get3A_386 : i32 to index
      %get3A_388 = arith.index_cast %mul3A_385 : i32 to index
      %get3A_389 = tpu.vector_load %arg8[%get3A_387, %get3A_388] {strides = array<i32>} : memref<2x4096xf32, #tpu.memory_space<vmem>>, vector<16xf32>,
      %sub3A_390 = arith.subf %get3A_389, %gather3A_383 : vector<16xf32>
      %mul3A_391 = arith.mulf %sub3A_390, %sub3A_390 : vector<16xf32>
      %add3A_392 = arith.addf %scan3A_321, %mul3A_391 : vector<16xf32>
      %scan3A_393 = arith.constant 4 : i32
      %scan3A_394 = arith.addi %scan3A_317, %scan3A_393 : i32
      %mul3A_395 = arith.constant 16 : i32
      %mul3A_396 = arith.muli %scan3A_394, %mul3A_395 : i32
      %add3A_397 = arith.constant 0 : i32
      %add3A_398 = arith.addi %add3A_397, %mul3A_396 : i32
      %get3A_399 = arith.index_cast %add3A_398 : i32 to index
      %get3A_400 = tpu.vector_load %arg7[%get3A_399] {strides = array<i32>} : memref<16384xi32, #tpu.memory_space<vmem>>, vector<16xi32>,
      %gather3A_401 = tpu.vector_load_idx %arg6[%get3A_400] : memref<100000xf32, #tpu.memory_space<vmem>>[vector<16xi32>], vector<16xf32>,
      %mul3A_402 = arith.constant 16 : i32
      %mul3A_403 = arith.muli %scan3A_394, %mul3A_402 : i32
      %get3A_404 = arith.constant 0 : i32
      %get3A_405 = arith.index_cast %get3A_404 : i32 to index
      %get3A_406 = arith.index_cast %mul3A_403 : i32 to index
      %get3A_407 = tpu.vector_load %arg8[%get3A_405, %get3A_406] {strides = array<i32>} : memref<2x4096xf32, #tpu.memory_space<vmem>>, vector<16xf32>,
      %sub3A_408 = arith.subf %get3A_407, %gather3A_401 : vector<16xf32>
      %mul3A_409 = arith.mulf %sub3A_408, %sub3A_408 : vector<16xf32>
      %add3A_410 = arith.addf %scan3A_322, %mul3A_409 : vector<16xf32>
      %scan3A_411 = arith.constant 5 : i32
      %scan3A_412 = arith.addi %scan3A_317, %scan3A_411 : i32
      %mul3A_413 = arith.constant 16 : i32
      %mul3A_414 = arith.muli %scan3A_412, %mul3A_413 : i32
      %add3A_415 = arith.constant 0 : i32
      %add3A_416 = arith.addi %add3A_415, %mul3A_414 : i32
      %get3A_417 = arith.index_cast %add3A_416 : i32 to index
      %get3A_418 = tpu.vector_load %arg7[%get3A_417] {strides = array<i32>} : memref<16384xi32, #tpu.memory_space<vmem>>, vector<16xi32>,
      %gather3A_419 = tpu.vector_load_idx %arg6[%get3A_418] : memref<100000xf32, #tpu.memory_space<vmem>>[vector<16xi32>], vector<16xf32>,
      %mul3A_420 = arith.constant 16 : i32
      %mul3A_421 = arith.muli %scan3A_412, %mul3A_420 : i32
      %get3A_422 = arith.constant 0 : i32
      %get3A_423 = arith.index_cast %get3A_422 : i32 to index
      %get3A_424 = arith.index_cast %mul3A_421 : i32 to index
      %get3A_425 = tpu.vector_load %arg8[%get3A_423, %get3A_424] {strides = array<i32>} : memref<2x4096xf32, #tpu.memory_space<vmem>>, vector<16xf32>,
      %sub3A_426 = arith.subf %get3A_425, %gather3A_419 : vector<16xf32>
      %mul3A_427 = arith.mulf %sub3A_426, %sub3A_426 : vector<16xf32>
      %add3A_428 = arith.addf %scan3A_323, %mul3A_427 : vector<16xf32>
      %scan3A_429 = arith.constant 6 : i32
      %scan3A_430 = arith.addi %scan3A_317, %scan3A_429 : i32
      %mul3A_431 = arith.constant 16 : i32
      %mul3A_432 = arith.muli %scan3A_430, %mul3A_431 : i32
      %add3A_433 = arith.constant 0 : i32
      %add3A_434 = arith.addi %add3A_433, %mul3A_432 : i32
      %get3A_435 = arith.index_cast %add3A_434 : i32 to index
      %get3A_436 = tpu.vector_load %arg7[%get3A_435] {strides = array<i32>} : memref<16384xi32, #tpu.memory_space<vmem>>, vector<16xi32>,
      %gather3A_437 = tpu.vector_load_idx %arg6[%get3A_436] : memref<100000xf32, #tpu.memory_space<vmem>>[vector<16xi32>], vector<16xf32>,
      %mul3A_438 = arith.constant 16 : i32
      %mul3A_439 = arith.muli %scan3A_430, %mul3A_438 : i32
      %get3A_440 = arith.constant 0 : i32
      %get3A_441 = arith.index_cast %get3A_440 : i32 to index
      %get3A_442 = arith.index_cast %mul3A_439 : i32 to index
      %get3A_443 = tpu.vector_load %arg8[%get3A_441, %get3A_442] {strides = array<i32>} : memref<2x4096xf32, #tpu.memory_space<vmem>>, vector<16xf32>,
      %sub3A_444 = arith.subf %get3A_443, %gather3A_437 : vector<16xf32>
      %mul3A_445 = arith.mulf %sub3A_444, %sub3A_444 : vector<16xf32>
      %add3A_446 = arith.addf %scan3A_324, %mul3A_445 : vector<16xf32>
      %scan3A_447 = arith.constant 7 : i32
      %scan3A_448 = arith.addi %scan3A_317, %scan3A_447 : i32
      %mul3A_449 = arith.constant 16 : i32
      %mul3A_450 = arith.muli %scan3A_448, %mul3A_449 : i32
      %add3A_451 = arith.constant 0 : i32
      %add3A_452 = arith.addi %add3A_451, %mul3A_450 : i32
      %get3A_453 = arith.index_cast %add3A_452 : i32 to index
      %get3A_454 = tpu.vector_load %arg7[%get3A_453] {strides = array<i32>} : memref<16384xi32, #tpu.memory_space<vmem>>, vector<16xi32>,
      %gather3A_455 = tpu.vector_load_idx %arg6[%get3A_454] : memref<100000xf32, #tpu.memory_space<vmem>>[vector<16xi32>], vector<16xf32>,
      %mul3A_456 = arith.constant 16 : i32
      %mul3A_457 = arith.muli %scan3A_448, %mul3A_456 : i32
      %get3A_458 = arith.constant 0 : i32
      %get3A_459 = arith.index_cast %get3A_458 : i32 to index
      %get3A_460 = arith.index_cast %mul3A_457 : i32 to index
      %get3A_461 = tpu.vector_load %arg8[%get3A_459, %get3A_460] {strides = array<i32>} : memref<2x4096xf32, #tpu.memory_space<vmem>>, vector<16xf32>,
      %sub3A_462 = arith.subf %get3A_461, %gather3A_455 : vector<16xf32>
      %mul3A_463 = arith.mulf %sub3A_462, %sub3A_462 : vector<16xf32>
      %add3A_464 = arith.addf %scan3A_325, %mul3A_463 : vector<16xf32>
      scf.yield %add3A_338, %add3A_356, %add3A_374, %add3A_392, %add3A_410, %add3A_428, %add3A_446, %add3A_464 : vector<16xf32>, vector<16xf32>, vector<16xf32>, vector<16xf32>, vector<16xf32>, vector<16xf32>, vector<16xf32>, vector<16xf32>
    }
    %scan3A_81 = arith.constant 256 : i32
    %dma_start3A_82 = arith.constant 0 : i32
    %dma_start3A_83 = arith.constant 0 : i32
    %dma_start3A_84 = tpu.memref_slice %arg8[%dma_start3A_82, %dma_start3A_83] : memref<2x4096xf32, #tpu.memory_space<vmem>> -> memref<1x4096xf32, #tpu.memory_space<vmem>>
    %dma_start3A_85 = tpu.memref_squeeze %dma_start3A_84 : memref<1x4096xf32, #tpu.memory_space<vmem>> -> memref<4096xf32, #tpu.memory_space<vmem>>
    %dma_start3A_86 = arith.constant 8192 : i32
    %dma_start3A_87 = tpu.memref_slice %arg3[%add3A_22, %dma_start3A_86] : memref<64x16384xf32, #tpu.memory_space<hbm>> -> memref<1x4096xf32, #tpu.memory_space<hbm>>
    %dma_start3A_88 = tpu.memref_squeeze %dma_start3A_87 : memref<1x4096xf32, #tpu.memory_space<hbm>> -> memref<4096xf32, #tpu.memory_space<hbm>>
    %dma_start3A_89 = arith.constant 0 : i32
    %dma_start3A_90 = tpu.memref_slice %arg8[%dma_start3A_82, %dma_start3A_89] : memref<2x4096xf32, #tpu.memory_space<vmem>> -> memref<1x4096xf32, #tpu.memory_space<vmem>>
    %dma_start3A_91 = tpu.memref_squeeze %dma_start3A_90 : memref<1x4096xf32, #tpu.memory_space<vmem>> -> memref<4096xf32, #tpu.memory_space<vmem>>
    %dma_start3A_92 = arith.constant 8192 : i32
    %dma_start3A_93 = tpu.memref_slice %arg3[%add3A_22, %dma_start3A_92] : memref<64x16384xf32, #tpu.memory_space<hbm>> -> memref<1x4096xf32, #tpu.memory_space<hbm>>
    %dma_start3A_94 = tpu.memref_squeeze %dma_start3A_93 : memref<1x4096xf32, #tpu.memory_space<hbm>> -> memref<4096xf32, #tpu.memory_space<hbm>>
    tpu.enqueue_dma source(%dma_start3A_94 : memref<4096xf32, #tpu.memory_space<hbm>>) target(%dma_start3A_91 : memref<4096xf32, #tpu.memory_space<vmem>>) target_semaphore(%arg11 : memref<!tpu.dma_semaphore, #tpu.memory_space<semaphore_mem>>)
    %dma_wait3A_95 = arith.constant 1 : i32
    %dma_wait3A_96 = arith.constant 0 : i32
    %dma_wait3A_97 = tpu.memref_slice %arg8[%dma_wait3A_95, %dma_wait3A_96] : memref<2x4096xf32, #tpu.memory_space<vmem>> -> memref<1x4096xf32, #tpu.memory_space<vmem>>
    %dma_wait3A_98 = tpu.memref_squeeze %dma_wait3A_97 : memref<1x4096xf32, #tpu.memory_space<vmem>> -> memref<4096xf32, #tpu.memory_space<vmem>>
    %dma_wait3A_99 = arith.constant 4096 : i32
    %dma_wait3A_100 = tpu.memref_slice %arg3[%add3A_22, %dma_wait3A_99] : memref<64x16384xf32, #tpu.memory_space<hbm>> -> memref<1x4096xf32, #tpu.memory_space<hbm>>
    %dma_wait3A_101 = tpu.memref_squeeze %dma_wait3A_100 : memref<1x4096xf32, #tpu.memory_space<hbm>> -> memref<4096xf32, #tpu.memory_space<hbm>>
    %dma_wait3A_102 = arith.constant 0 : i32
    %dma_wait3A_103 = tpu.memref_slice %arg8[%dma_wait3A_95, %dma_wait3A_102] : memref<2x4096xf32, #tpu.memory_space<vmem>> -> memref<1x4096xf32, #tpu.memory_space<vmem>>
    %dma_wait3A_104 = tpu.memref_squeeze %dma_wait3A_103 : memref<1x4096xf32, #tpu.memory_space<vmem>> -> memref<4096xf32, #tpu.memory_space<vmem>>
    %dma_wait3A_105 = arith.constant 4096 : i32
    %dma_wait3A_106 = tpu.memref_slice %arg3[%add3A_22, %dma_wait3A_105] : memref<64x16384xf32, #tpu.memory_space<hbm>> -> memref<1x4096xf32, #tpu.memory_space<hbm>>
    %dma_wait3A_107 = tpu.memref_squeeze %dma_wait3A_106 : memref<1x4096xf32, #tpu.memory_space<hbm>> -> memref<4096xf32, #tpu.memory_space<hbm>>
    tpu.wait_dma2 semaphore(%arg11 : memref<!tpu.dma_semaphore, #tpu.memory_space<semaphore_mem>>) src(%dma_wait3A_107 : memref<4096xf32, #tpu.memory_space<hbm>>) dst(%dma_wait3A_104 : memref<4096xf32, #tpu.memory_space<vmem>>)
    %scan3A_108 = arith.constant 0 : i32
    %scan3A_109 = arith.constant 256 : i32
    %scan3A_110 = arith.addi %scan3A_108, %scan3A_109 : i32
    %scan3A_111 = arith.constant 8 : i32
    %scan3A_112:8 = scf.for %scan3A_317 = %scan3A_108 to %scan3A_110 step %scan3A_111 iter_args(%scan3A_318 = %scan3A_80#0, %scan3A_319 = %scan3A_80#1, %scan3A_320 = %scan3A_80#2, %scan3A_321 = %scan3A_80#3, %scan3A_322 = %scan3A_80#4, %scan3A_323 = %scan3A_80#5, %scan3A_324 = %scan3A_80#6, %scan3A_325 = %scan3A_80#7) -> (vector<16xf32>, vector<16xf32>, vector<16xf32>, vector<16xf32>, vector<16xf32>, vector<16xf32>, vector<16xf32>, vector<16xf32>)  : i32 {
      %mul3A_326 = arith.constant 16 : i32
      %mul3A_327 = arith.muli %scan3A_317, %mul3A_326 : i32
      %add3A_328 = arith.constant 4096 : i32
      %add3A_329 = arith.addi %add3A_328, %mul3A_327 : i32
      %get3A = arith.index_cast %add3A_329 : i32 to index
      %get3A_330 = tpu.vector_load %arg7[%get3A] {strides = array<i32>} : memref<16384xi32, #tpu.memory_space<vmem>>, vector<16xi32>,
      %gather3A = tpu.vector_load_idx %arg6[%get3A_330] : memref<100000xf32, #tpu.memory_space<vmem>>[vector<16xi32>], vector<16xf32>,
      %mul3A_331 = arith.constant 16 : i32
      %mul3A_332 = arith.muli %scan3A_317, %mul3A_331 : i32
      %get3A_333 = arith.constant 1 : i32
      %get3A_334 = arith.index_cast %get3A_333 : i32 to index
      %get3A_335 = arith.index_cast %mul3A_332 : i32 to index
      %get3A_336 = tpu.vector_load %arg8[%get3A_334, %get3A_335] {strides = array<i32>} : memref<2x4096xf32, #tpu.memory_space<vmem>>, vector<16xf32>,
      %sub3A = arith.subf %get3A_336, %gather3A : vector<16xf32>
      %mul3A_337 = arith.mulf %sub3A, %sub3A : vector<16xf32>
      %add3A_338 = arith.addf %scan3A_318, %mul3A_337 : vector<16xf32>
      %scan3A_339 = arith.constant 1 : i32
      %scan3A_340 = arith.addi %scan3A_317, %scan3A_339 : i32
      %mul3A_341 = arith.constant 16 : i32
      %mul3A_342 = arith.muli %scan3A_340, %mul3A_341 : i32
      %add3A_343 = arith.constant 4096 : i32
      %add3A_344 = arith.addi %add3A_343, %mul3A_342 : i32
      %get3A_345 = arith.index_cast %add3A_344 : i32 to index
      %get3A_346 = tpu.vector_load %arg7[%get3A_345] {strides = array<i32>} : memref<16384xi32, #tpu.memory_space<vmem>>, vector<16xi32>,
      %gather3A_347 = tpu.vector_load_idx %arg6[%get3A_346] : memref<100000xf32, #tpu.memory_space<vmem>>[vector<16xi32>], vector<16xf32>,
      %mul3A_348 = arith.constant 16 : i32
      %mul3A_349 = arith.muli %scan3A_340, %mul3A_348 : i32
      %get3A_350 = arith.constant 1 : i32
      %get3A_351 = arith.index_cast %get3A_350 : i32 to index
      %get3A_352 = arith.index_cast %mul3A_349 : i32 to index
      %get3A_353 = tpu.vector_load %arg8[%get3A_351, %get3A_352] {strides = array<i32>} : memref<2x4096xf32, #tpu.memory_space<vmem>>, vector<16xf32>,
      %sub3A_354 = arith.subf %get3A_353, %gather3A_347 : vector<16xf32>
      %mul3A_355 = arith.mulf %sub3A_354, %sub3A_354 : vector<16xf32>
      %add3A_356 = arith.addf %scan3A_319, %mul3A_355 : vector<16xf32>
      %scan3A_357 = arith.constant 2 : i32
      %scan3A_358 = arith.addi %scan3A_317, %scan3A_357 : i32
      %mul3A_359 = arith.constant 16 : i32
      %mul3A_360 = arith.muli %scan3A_358, %mul3A_359 : i32
      %add3A_361 = arith.constant 4096 : i32
      %add3A_362 = arith.addi %add3A_361, %mul3A_360 : i32
      %get3A_363 = arith.index_cast %add3A_362 : i32 to index
      %get3A_364 = tpu.vector_load %arg7[%get3A_363] {strides = array<i32>} : memref<16384xi32, #tpu.memory_space<vmem>>, vector<16xi32>,
      %gather3A_365 = tpu.vector_load_idx %arg6[%get3A_364] : memref<100000xf32, #tpu.memory_space<vmem>>[vector<16xi32>], vector<16xf32>,
      %mul3A_366 = arith.constant 16 : i32
      %mul3A_367 = arith.muli %scan3A_358, %mul3A_366 : i32
      %get3A_368 = arith.constant 1 : i32
      %get3A_369 = arith.index_cast %get3A_368 : i32 to index
      %get3A_370 = arith.index_cast %mul3A_367 : i32 to index
      %get3A_371 = tpu.vector_load %arg8[%get3A_369, %get3A_370] {strides = array<i32>} : memref<2x4096xf32, #tpu.memory_space<vmem>>, vector<16xf32>,
      %sub3A_372 = arith.subf %get3A_371, %gather3A_365 : vector<16xf32>
      %mul3A_373 = arith.mulf %sub3A_372, %sub3A_372 : vector<16xf32>
      %add3A_374 = arith.addf %scan3A_320, %mul3A_373 : vector<16xf32>
      %scan3A_375 = arith.constant 3 : i32
      %scan3A_376 = arith.addi %scan3A_317, %scan3A_375 : i32
      %mul3A_377 = arith.constant 16 : i32
      %mul3A_378 = arith.muli %scan3A_376, %mul3A_377 : i32
      %add3A_379 = arith.constant 4096 : i32
      %add3A_380 = arith.addi %add3A_379, %mul3A_378 : i32
      %get3A_381 = arith.index_cast %add3A_380 : i32 to index
      %get3A_382 = tpu.vector_load %arg7[%get3A_381] {strides = array<i32>} : memref<16384xi32, #tpu.memory_space<vmem>>, vector<16xi32>,
      %gather3A_383 = tpu.vector_load_idx %arg6[%get3A_382] : memref<100000xf32, #tpu.memory_space<vmem>>[vector<16xi32>], vector<16xf32>,
      %mul3A_384 = arith.constant 16 : i32
      %mul3A_385 = arith.muli %scan3A_376, %mul3A_384 : i32
      %get3A_386 = arith.constant 1 : i32
      %get3A_387 = arith.index_cast %get3A_386 : i32 to index
      %get3A_388 = arith.index_cast %mul3A_385 : i32 to index
      %get3A_389 = tpu.vector_load %arg8[%get3A_387, %get3A_388] {strides = array<i32>} : memref<2x4096xf32, #tpu.memory_space<vmem>>, vector<16xf32>,
      %sub3A_390 = arith.subf %get3A_389, %gather3A_383 : vector<16xf32>
      %mul3A_391 = arith.mulf %sub3A_390, %sub3A_390 : vector<16xf32>
      %add3A_392 = arith.addf %scan3A_321, %mul3A_391 : vector<16xf32>
      %scan3A_393 = arith.constant 4 : i32
      %scan3A_394 = arith.addi %scan3A_317, %scan3A_393 : i32
      %mul3A_395 = arith.constant 16 : i32
      %mul3A_396 = arith.muli %scan3A_394, %mul3A_395 : i32
      %add3A_397 = arith.constant 4096 : i32
      %add3A_398 = arith.addi %add3A_397, %mul3A_396 : i32
      %get3A_399 = arith.index_cast %add3A_398 : i32 to index
      %get3A_400 = tpu.vector_load %arg7[%get3A_399] {strides = array<i32>} : memref<16384xi32, #tpu.memory_space<vmem>>, vector<16xi32>,
      %gather3A_401 = tpu.vector_load_idx %arg6[%get3A_400] : memref<100000xf32, #tpu.memory_space<vmem>>[vector<16xi32>], vector<16xf32>,
      %mul3A_402 = arith.constant 16 : i32
      %mul3A_403 = arith.muli %scan3A_394, %mul3A_402 : i32
      %get3A_404 = arith.constant 1 : i32
      %get3A_405 = arith.index_cast %get3A_404 : i32 to index
      %get3A_406 = arith.index_cast %mul3A_403 : i32 to index
      %get3A_407 = tpu.vector_load %arg8[%get3A_405, %get3A_406] {strides = array<i32>} : memref<2x4096xf32, #tpu.memory_space<vmem>>, vector<16xf32>,
      %sub3A_408 = arith.subf %get3A_407, %gather3A_401 : vector<16xf32>
      %mul3A_409 = arith.mulf %sub3A_408, %sub3A_408 : vector<16xf32>
      %add3A_410 = arith.addf %scan3A_322, %mul3A_409 : vector<16xf32>
      %scan3A_411 = arith.constant 5 : i32
      %scan3A_412 = arith.addi %scan3A_317, %scan3A_411 : i32
      %mul3A_413 = arith.constant 16 : i32
      %mul3A_414 = arith.muli %scan3A_412, %mul3A_413 : i32
      %add3A_415 = arith.constant 4096 : i32
      %add3A_416 = arith.addi %add3A_415, %mul3A_414 : i32
      %get3A_417 = arith.index_cast %add3A_416 : i32 to index
      %get3A_418 = tpu.vector_load %arg7[%get3A_417] {strides = array<i32>} : memref<16384xi32, #tpu.memory_space<vmem>>, vector<16xi32>,
      %gather3A_419 = tpu.vector_load_idx %arg6[%get3A_418] : memref<100000xf32, #tpu.memory_space<vmem>>[vector<16xi32>], vector<16xf32>,
      %mul3A_420 = arith.constant 16 : i32
      %mul3A_421 = arith.muli %scan3A_412, %mul3A_420 : i32
      %get3A_422 = arith.constant 1 : i32
      %get3A_423 = arith.index_cast %get3A_422 : i32 to index
      %get3A_424 = arith.index_cast %mul3A_421 : i32 to index
      %get3A_425 = tpu.vector_load %arg8[%get3A_423, %get3A_424] {strides = array<i32>} : memref<2x4096xf32, #tpu.memory_space<vmem>>, vector<16xf32>,
      %sub3A_426 = arith.subf %get3A_425, %gather3A_419 : vector<16xf32>
      %mul3A_427 = arith.mulf %sub3A_426, %sub3A_426 : vector<16xf32>
      %add3A_428 = arith.addf %scan3A_323, %mul3A_427 : vector<16xf32>
      %scan3A_429 = arith.constant 6 : i32
      %scan3A_430 = arith.addi %scan3A_317, %scan3A_429 : i32
      %mul3A_431 = arith.constant 16 : i32
      %mul3A_432 = arith.muli %scan3A_430, %mul3A_431 : i32
      %add3A_433 = arith.constant 4096 : i32
      %add3A_434 = arith.addi %add3A_433, %mul3A_432 : i32
      %get3A_435 = arith.index_cast %add3A_434 : i32 to index
      %get3A_436 = tpu.vector_load %arg7[%get3A_435] {strides = array<i32>} : memref<16384xi32, #tpu.memory_space<vmem>>, vector<16xi32>,
      %gather3A_437 = tpu.vector_load_idx %arg6[%get3A_436] : memref<100000xf32, #tpu.memory_space<vmem>>[vector<16xi32>], vector<16xf32>,
      %mul3A_438 = arith.constant 16 : i32
      %mul3A_439 = arith.muli %scan3A_430, %mul3A_438 : i32
      %get3A_440 = arith.constant 1 : i32
      %get3A_441 = arith.index_cast %get3A_440 : i32 to index
      %get3A_442 = arith.index_cast %mul3A_439 : i32 to index
      %get3A_443 = tpu.vector_load %arg8[%get3A_441, %get3A_442] {strides = array<i32>} : memref<2x4096xf32, #tpu.memory_space<vmem>>, vector<16xf32>,
      %sub3A_444 = arith.subf %get3A_443, %gather3A_437 : vector<16xf32>
      %mul3A_445 = arith.mulf %sub3A_444, %sub3A_444 : vector<16xf32>
      %add3A_446 = arith.addf %scan3A_324, %mul3A_445 : vector<16xf32>
      %scan3A_447 = arith.constant 7 : i32
      %scan3A_448 = arith.addi %scan3A_317, %scan3A_447 : i32
      %mul3A_449 = arith.constant 16 : i32
      %mul3A_450 = arith.muli %scan3A_448, %mul3A_449 : i32
      %add3A_451 = arith.constant 4096 : i32
      %add3A_452 = arith.addi %add3A_451, %mul3A_450 : i32
      %get3A_453 = arith.index_cast %add3A_452 : i32 to index
      %get3A_454 = tpu.vector_load %arg7[%get3A_453] {strides = array<i32>} : memref<16384xi32, #tpu.memory_space<vmem>>, vector<16xi32>,
      %gather3A_455 = tpu.vector_load_idx %arg6[%get3A_454] : memref<100000xf32, #tpu.memory_space<vmem>>[vector<16xi32>], vector<16xf32>,
      %mul3A_456 = arith.constant 16 : i32
      %mul3A_457 = arith.muli %scan3A_448, %mul3A_456 : i32
      %get3A_458 = arith.constant 1 : i32
      %get3A_459 = arith.index_cast %get3A_458 : i32 to index
      %get3A_460 = arith.index_cast %mul3A_457 : i32 to index
      %get3A_461 = tpu.vector_load %arg8[%get3A_459, %get3A_460] {strides = array<i32>} : memref<2x4096xf32, #tpu.memory_space<vmem>>, vector<16xf32>,
      %sub3A_462 = arith.subf %get3A_461, %gather3A_455 : vector<16xf32>
      %mul3A_463 = arith.mulf %sub3A_462, %sub3A_462 : vector<16xf32>
      %add3A_464 = arith.addf %scan3A_325, %mul3A_463 : vector<16xf32>
      scf.yield %add3A_338, %add3A_356, %add3A_374, %add3A_392, %add3A_410, %add3A_428, %add3A_446, %add3A_464 : vector<16xf32>, vector<16xf32>, vector<16xf32>, vector<16xf32>, vector<16xf32>, vector<16xf32>, vector<16xf32>, vector<16xf32>
    }
    %scan3A_113 = arith.constant 256 : i32
    %dma_start3A_114 = arith.constant 1 : i32
    %dma_start3A_115 = arith.constant 0 : i32
    %dma_start3A_116 = tpu.memref_slice %arg8[%dma_start3A_114, %dma_start3A_115] : memref<2x4096xf32, #tpu.memory_space<vmem>> -> memref<1x4096xf32, #tpu.memory_space<vmem>>
    %dma_start3A_117 = tpu.memref_squeeze %dma_start3A_116 : memref<1x4096xf32, #tpu.memory_space<vmem>> -> memref<4096xf32, #tpu.memory_space<vmem>>
    %dma_start3A_118 = arith.constant 12288 : i32
    %dma_start3A_119 = tpu.memref_slice %arg3[%add3A_22, %dma_start3A_118] : memref<64x16384xf32, #tpu.memory_space<hbm>> -> memref<1x4096xf32, #tpu.memory_space<hbm>>
    %dma_start3A_120 = tpu.memref_squeeze %dma_start3A_119 : memref<1x4096xf32, #tpu.memory_space<hbm>> -> memref<4096xf32, #tpu.memory_space<hbm>>
    %dma_start3A_121 = arith.constant 0 : i32
    %dma_start3A_122 = tpu.memref_slice %arg8[%dma_start3A_114, %dma_start3A_121] : memref<2x4096xf32, #tpu.memory_space<vmem>> -> memref<1x4096xf32, #tpu.memory_space<vmem>>
    %dma_start3A_123 = tpu.memref_squeeze %dma_start3A_122 : memref<1x4096xf32, #tpu.memory_space<vmem>> -> memref<4096xf32, #tpu.memory_space<vmem>>
    %dma_start3A_124 = arith.constant 12288 : i32
    %dma_start3A_125 = tpu.memref_slice %arg3[%add3A_22, %dma_start3A_124] : memref<64x16384xf32, #tpu.memory_space<hbm>> -> memref<1x4096xf32, #tpu.memory_space<hbm>>
    %dma_start3A_126 = tpu.memref_squeeze %dma_start3A_125 : memref<1x4096xf32, #tpu.memory_space<hbm>> -> memref<4096xf32, #tpu.memory_space<hbm>>
    tpu.enqueue_dma source(%dma_start3A_126 : memref<4096xf32, #tpu.memory_space<hbm>>) target(%dma_start3A_123 : memref<4096xf32, #tpu.memory_space<vmem>>) target_semaphore(%arg11 : memref<!tpu.dma_semaphore, #tpu.memory_space<semaphore_mem>>)
    %dma_wait3A_127 = arith.constant 0 : i32
    %dma_wait3A_128 = arith.constant 0 : i32
    %dma_wait3A_129 = tpu.memref_slice %arg8[%dma_wait3A_127, %dma_wait3A_128] : memref<2x4096xf32, #tpu.memory_space<vmem>> -> memref<1x4096xf32, #tpu.memory_space<vmem>>
    %dma_wait3A_130 = tpu.memref_squeeze %dma_wait3A_129 : memref<1x4096xf32, #tpu.memory_space<vmem>> -> memref<4096xf32, #tpu.memory_space<vmem>>
    %dma_wait3A_131 = arith.constant 8192 : i32
    %dma_wait3A_132 = tpu.memref_slice %arg3[%add3A_22, %dma_wait3A_131] : memref<64x16384xf32, #tpu.memory_space<hbm>> -> memref<1x4096xf32, #tpu.memory_space<hbm>>
    %dma_wait3A_133 = tpu.memref_squeeze %dma_wait3A_132 : memref<1x4096xf32, #tpu.memory_space<hbm>> -> memref<4096xf32, #tpu.memory_space<hbm>>
    %dma_wait3A_134 = arith.constant 0 : i32
    %dma_wait3A_135 = tpu.memref_slice %arg8[%dma_wait3A_127, %dma_wait3A_134] : memref<2x4096xf32, #tpu.memory_space<vmem>> -> memref<1x4096xf32, #tpu.memory_space<vmem>>
    %dma_wait3A_136 = tpu.memref_squeeze %dma_wait3A_135 : memref<1x4096xf32, #tpu.memory_space<vmem>> -> memref<4096xf32, #tpu.memory_space<vmem>>
    %dma_wait3A_137 = arith.constant 8192 : i32
    %dma_wait3A_138 = tpu.memref_slice %arg3[%add3A_22, %dma_wait3A_137] : memref<64x16384xf32, #tpu.memory_space<hbm>> -> memref<1x4096xf32, #tpu.memory_space<hbm>>
    %dma_wait3A_139 = tpu.memref_squeeze %dma_wait3A_138 : memref<1x4096xf32, #tpu.memory_space<hbm>> -> memref<4096xf32, #tpu.memory_space<hbm>>
    tpu.wait_dma2 semaphore(%arg11 : memref<!tpu.dma_semaphore, #tpu.memory_space<semaphore_mem>>) src(%dma_wait3A_139 : memref<4096xf32, #tpu.memory_space<hbm>>) dst(%dma_wait3A_136 : memref<4096xf32, #tpu.memory_space<vmem>>)
    %scan3A_140 = arith.constant 0 : i32
    %scan3A_141 = arith.constant 256 : i32
    %scan3A_142 = arith.addi %scan3A_140, %scan3A_141 : i32
    %scan3A_143 = arith.constant 8 : i32
    %scan3A_144:8 = scf.for %scan3A_317 = %scan3A_140 to %scan3A_142 step %scan3A_143 iter_args(%scan3A_318 = %scan3A_112#0, %scan3A_319 = %scan3A_112#1, %scan3A_320 = %scan3A_112#2, %scan3A_321 = %scan3A_112#3, %scan3A_322 = %scan3A_112#4, %scan3A_323 = %scan3A_112#5, %scan3A_324 = %scan3A_112#6, %scan3A_325 = %scan3A_112#7) -> (vector<16xf32>, vector<16xf32>, vector<16xf32>, vector<16xf32>, vector<16xf32>, vector<16xf32>, vector<16xf32>, vector<16xf32>)  : i32 {
      %mul3A_326 = arith.constant 16 : i32
      %mul3A_327 = arith.muli %scan3A_317, %mul3A_326 : i32
      %add3A_328 = arith.constant 8192 : i32
      %add3A_329 = arith.addi %add3A_328, %mul3A_327 : i32
      %get3A = arith.index_cast %add3A_329 : i32 to index
      %get3A_330 = tpu.vector_load %arg7[%get3A] {strides = array<i32>} : memref<16384xi32, #tpu.memory_space<vmem>>, vector<16xi32>,
      %gather3A = tpu.vector_load_idx %arg6[%get3A_330] : memref<100000xf32, #tpu.memory_space<vmem>>[vector<16xi32>], vector<16xf32>,
      %mul3A_331 = arith.constant 16 : i32
      %mul3A_332 = arith.muli %scan3A_317, %mul3A_331 : i32
      %get3A_333 = arith.constant 0 : i32
      %get3A_334 = arith.index_cast %get3A_333 : i32 to index
      %get3A_335 = arith.index_cast %mul3A_332 : i32 to index
      %get3A_336 = tpu.vector_load %arg8[%get3A_334, %get3A_335] {strides = array<i32>} : memref<2x4096xf32, #tpu.memory_space<vmem>>, vector<16xf32>,
      %sub3A = arith.subf %get3A_336, %gather3A : vector<16xf32>
      %mul3A_337 = arith.mulf %sub3A, %sub3A : vector<16xf32>
      %add3A_338 = arith.addf %scan3A_318, %mul3A_337 : vector<16xf32>
      %scan3A_339 = arith.constant 1 : i32
      %scan3A_340 = arith.addi %scan3A_317, %scan3A_339 : i32
      %mul3A_341 = arith.constant 16 : i32
      %mul3A_342 = arith.muli %scan3A_340, %mul3A_341 : i32
      %add3A_343 = arith.constant 8192 : i32
      %add3A_344 = arith.addi %add3A_343, %mul3A_342 : i32
      %get3A_345 = arith.index_cast %add3A_344 : i32 to index
      %get3A_346 = tpu.vector_load %arg7[%get3A_345] {strides = array<i32>} : memref<16384xi32, #tpu.memory_space<vmem>>, vector<16xi32>,
      %gather3A_347 = tpu.vector_load_idx %arg6[%get3A_346] : memref<100000xf32, #tpu.memory_space<vmem>>[vector<16xi32>], vector<16xf32>,
      %mul3A_348 = arith.constant 16 : i32
      %mul3A_349 = arith.muli %scan3A_340, %mul3A_348 : i32
      %get3A_350 = arith.constant 0 : i32
      %get3A_351 = arith.index_cast %get3A_350 : i32 to index
      %get3A_352 = arith.index_cast %mul3A_349 : i32 to index
      %get3A_353 = tpu.vector_load %arg8[%get3A_351, %get3A_352] {strides = array<i32>} : memref<2x4096xf32, #tpu.memory_space<vmem>>, vector<16xf32>,
      %sub3A_354 = arith.subf %get3A_353, %gather3A_347 : vector<16xf32>
      %mul3A_355 = arith.mulf %sub3A_354, %sub3A_354 : vector<16xf32>
      %add3A_356 = arith.addf %scan3A_319, %mul3A_355 : vector<16xf32>
      %scan3A_357 = arith.constant 2 : i32
      %scan3A_358 = arith.addi %scan3A_317, %scan3A_357 : i32
      %mul3A_359 = arith.constant 16 : i32
      %mul3A_360 = arith.muli %scan3A_358, %mul3A_359 : i32
      %add3A_361 = arith.constant 8192 : i32
      %add3A_362 = arith.addi %add3A_361, %mul3A_360 : i32
      %get3A_363 = arith.index_cast %add3A_362 : i32 to index
      %get3A_364 = tpu.vector_load %arg7[%get3A_363] {strides = array<i32>} : memref<16384xi32, #tpu.memory_space<vmem>>, vector<16xi32>,
      %gather3A_365 = tpu.vector_load_idx %arg6[%get3A_364] : memref<100000xf32, #tpu.memory_space<vmem>>[vector<16xi32>], vector<16xf32>,
      %mul3A_366 = arith.constant 16 : i32
      %mul3A_367 = arith.muli %scan3A_358, %mul3A_366 : i32
      %get3A_368 = arith.constant 0 : i32
      %get3A_369 = arith.index_cast %get3A_368 : i32 to index
      %get3A_370 = arith.index_cast %mul3A_367 : i32 to index
      %get3A_371 = tpu.vector_load %arg8[%get3A_369, %get3A_370] {strides = array<i32>} : memref<2x4096xf32, #tpu.memory_space<vmem>>, vector<16xf32>,
      %sub3A_372 = arith.subf %get3A_371, %gather3A_365 : vector<16xf32>
      %mul3A_373 = arith.mulf %sub3A_372, %sub3A_372 : vector<16xf32>
      %add3A_374 = arith.addf %scan3A_320, %mul3A_373 : vector<16xf32>
      %scan3A_375 = arith.constant 3 : i32
      %scan3A_376 = arith.addi %scan3A_317, %scan3A_375 : i32
      %mul3A_377 = arith.constant 16 : i32
      %mul3A_378 = arith.muli %scan3A_376, %mul3A_377 : i32
      %add3A_379 = arith.constant 8192 : i32
      %add3A_380 = arith.addi %add3A_379, %mul3A_378 : i32
      %get3A_381 = arith.index_cast %add3A_380 : i32 to index
      %get3A_382 = tpu.vector_load %arg7[%get3A_381] {strides = array<i32>} : memref<16384xi32, #tpu.memory_space<vmem>>, vector<16xi32>,
      %gather3A_383 = tpu.vector_load_idx %arg6[%get3A_382] : memref<100000xf32, #tpu.memory_space<vmem>>[vector<16xi32>], vector<16xf32>,
      %mul3A_384 = arith.constant 16 : i32
      %mul3A_385 = arith.muli %scan3A_376, %mul3A_384 : i32
      %get3A_386 = arith.constant 0 : i32
      %get3A_387 = arith.index_cast %get3A_386 : i32 to index
      %get3A_388 = arith.index_cast %mul3A_385 : i32 to index
      %get3A_389 = tpu.vector_load %arg8[%get3A_387, %get3A_388] {strides = array<i32>} : memref<2x4096xf32, #tpu.memory_space<vmem>>, vector<16xf32>,
      %sub3A_390 = arith.subf %get3A_389, %gather3A_383 : vector<16xf32>
      %mul3A_391 = arith.mulf %sub3A_390, %sub3A_390 : vector<16xf32>
      %add3A_392 = arith.addf %scan3A_321, %mul3A_391 : vector<16xf32>
      %scan3A_393 = arith.constant 4 : i32
      %scan3A_394 = arith.addi %scan3A_317, %scan3A_393 : i32
      %mul3A_395 = arith.constant 16 : i32
      %mul3A_396 = arith.muli %scan3A_394, %mul3A_395 : i32
      %add3A_397 = arith.constant 8192 : i32
      %add3A_398 = arith.addi %add3A_397, %mul3A_396 : i32
      %get3A_399 = arith.index_cast %add3A_398 : i32 to index
      %get3A_400 = tpu.vector_load %arg7[%get3A_399] {strides = array<i32>} : memref<16384xi32, #tpu.memory_space<vmem>>, vector<16xi32>,
      %gather3A_401 = tpu.vector_load_idx %arg6[%get3A_400] : memref<100000xf32, #tpu.memory_space<vmem>>[vector<16xi32>], vector<16xf32>,
      %mul3A_402 = arith.constant 16 : i32
      %mul3A_403 = arith.muli %scan3A_394, %mul3A_402 : i32
      %get3A_404 = arith.constant 0 : i32
      %get3A_405 = arith.index_cast %get3A_404 : i32 to index
      %get3A_406 = arith.index_cast %mul3A_403 : i32 to index
      %get3A_407 = tpu.vector_load %arg8[%get3A_405, %get3A_406] {strides = array<i32>} : memref<2x4096xf32, #tpu.memory_space<vmem>>, vector<16xf32>,
      %sub3A_408 = arith.subf %get3A_407, %gather3A_401 : vector<16xf32>
      %mul3A_409 = arith.mulf %sub3A_408, %sub3A_408 : vector<16xf32>
      %add3A_410 = arith.addf %scan3A_322, %mul3A_409 : vector<16xf32>
      %scan3A_411 = arith.constant 5 : i32
      %scan3A_412 = arith.addi %scan3A_317, %scan3A_411 : i32
      %mul3A_413 = arith.constant 16 : i32
      %mul3A_414 = arith.muli %scan3A_412, %mul3A_413 : i32
      %add3A_415 = arith.constant 8192 : i32
      %add3A_416 = arith.addi %add3A_415, %mul3A_414 : i32
      %get3A_417 = arith.index_cast %add3A_416 : i32 to index
      %get3A_418 = tpu.vector_load %arg7[%get3A_417] {strides = array<i32>} : memref<16384xi32, #tpu.memory_space<vmem>>, vector<16xi32>,
      %gather3A_419 = tpu.vector_load_idx %arg6[%get3A_418] : memref<100000xf32, #tpu.memory_space<vmem>>[vector<16xi32>], vector<16xf32>,
      %mul3A_420 = arith.constant 16 : i32
      %mul3A_421 = arith.muli %scan3A_412, %mul3A_420 : i32
      %get3A_422 = arith.constant 0 : i32
      %get3A_423 = arith.index_cast %get3A_422 : i32 to index
      %get3A_424 = arith.index_cast %mul3A_421 : i32 to index
      %get3A_425 = tpu.vector_load %arg8[%get3A_423, %get3A_424] {strides = array<i32>} : memref<2x4096xf32, #tpu.memory_space<vmem>>, vector<16xf32>,
      %sub3A_426 = arith.subf %get3A_425, %gather3A_419 : vector<16xf32>
      %mul3A_427 = arith.mulf %sub3A_426, %sub3A_426 : vector<16xf32>
      %add3A_428 = arith.addf %scan3A_323, %mul3A_427 : vector<16xf32>
      %scan3A_429 = arith.constant 6 : i32
      %scan3A_430 = arith.addi %scan3A_317, %scan3A_429 : i32
      %mul3A_431 = arith.constant 16 : i32
      %mul3A_432 = arith.muli %scan3A_430, %mul3A_431 : i32
      %add3A_433 = arith.constant 8192 : i32
      %add3A_434 = arith.addi %add3A_433, %mul3A_432 : i32
      %get3A_435 = arith.index_cast %add3A_434 : i32 to index
      %get3A_436 = tpu.vector_load %arg7[%get3A_435] {strides = array<i32>} : memref<16384xi32, #tpu.memory_space<vmem>>, vector<16xi32>,
      %gather3A_437 = tpu.vector_load_idx %arg6[%get3A_436] : memref<100000xf32, #tpu.memory_space<vmem>>[vector<16xi32>], vector<16xf32>,
      %mul3A_438 = arith.constant 16 : i32
      %mul3A_439 = arith.muli %scan3A_430, %mul3A_438 : i32
      %get3A_440 = arith.constant 0 : i32
      %get3A_441 = arith.index_cast %get3A_440 : i32 to index
      %get3A_442 = arith.index_cast %mul3A_439 : i32 to index
      %get3A_443 = tpu.vector_load %arg8[%get3A_441, %get3A_442] {strides = array<i32>} : memref<2x4096xf32, #tpu.memory_space<vmem>>, vector<16xf32>,
      %sub3A_444 = arith.subf %get3A_443, %gather3A_437 : vector<16xf32>
      %mul3A_445 = arith.mulf %sub3A_444, %sub3A_444 : vector<16xf32>
      %add3A_446 = arith.addf %scan3A_324, %mul3A_445 : vector<16xf32>
      %scan3A_447 = arith.constant 7 : i32
      %scan3A_448 = arith.addi %scan3A_317, %scan3A_447 : i32
      %mul3A_449 = arith.constant 16 : i32
      %mul3A_450 = arith.muli %scan3A_448, %mul3A_449 : i32
      %add3A_451 = arith.constant 8192 : i32
      %add3A_452 = arith.addi %add3A_451, %mul3A_450 : i32
      %get3A_453 = arith.index_cast %add3A_452 : i32 to index
      %get3A_454 = tpu.vector_load %arg7[%get3A_453] {strides = array<i32>} : memref<16384xi32, #tpu.memory_space<vmem>>, vector<16xi32>,
      %gather3A_455 = tpu.vector_load_idx %arg6[%get3A_454] : memref<100000xf32, #tpu.memory_space<vmem>>[vector<16xi32>], vector<16xf32>,
      %mul3A_456 = arith.constant 16 : i32
      %mul3A_457 = arith.muli %scan3A_448, %mul3A_456 : i32
      %get3A_458 = arith.constant 0 : i32
      %get3A_459 = arith.index_cast %get3A_458 : i32 to index
      %get3A_460 = arith.index_cast %mul3A_457 : i32 to index
      %get3A_461 = tpu.vector_load %arg8[%get3A_459, %get3A_460] {strides = array<i32>} : memref<2x4096xf32, #tpu.memory_space<vmem>>, vector<16xf32>,
      %sub3A_462 = arith.subf %get3A_461, %gather3A_455 : vector<16xf32>
      %mul3A_463 = arith.mulf %sub3A_462, %sub3A_462 : vector<16xf32>
      %add3A_464 = arith.addf %scan3A_325, %mul3A_463 : vector<16xf32>
      scf.yield %add3A_338, %add3A_356, %add3A_374, %add3A_392, %add3A_410, %add3A_428, %add3A_446, %add3A_464 : vector<16xf32>, vector<16xf32>, vector<16xf32>, vector<16xf32>, vector<16xf32>, vector<16xf32>, vector<16xf32>, vector<16xf32>
    }
    %scan3A_145 = arith.constant 256 : i32
    %dma_wait3A_146 = arith.constant 1 : i32
    %dma_wait3A_147 = arith.constant 0 : i32
    %dma_wait3A_148 = tpu.memref_slice %arg8[%dma_wait3A_146, %dma_wait3A_147] : memref<2x4096xf32, #tpu.memory_space<vmem>> -> memref<1x4096xf32, #tpu.memory_space<vmem>>
    %dma_wait3A_149 = tpu.memref_squeeze %dma_wait3A_148 : memref<1x4096xf32, #tpu.memory_space<vmem>> -> memref<4096xf32, #tpu.memory_space<vmem>>
    %dma_wait3A_150 = arith.constant 12288 : i32
    %dma_wait3A_151 = tpu.memref_slice %arg3[%add3A_22, %dma_wait3A_150] : memref<64x16384xf32, #tpu.memory_space<hbm>> -> memref<1x4096xf32, #tpu.memory_space<hbm>>
    %dma_wait3A_152 = tpu.memref_squeeze %dma_wait3A_151 : memref<1x4096xf32, #tpu.memory_space<hbm>> -> memref<4096xf32, #tpu.memory_space<hbm>>
    %dma_wait3A_153 = arith.constant 0 : i32
    %dma_wait3A_154 = tpu.memref_slice %arg8[%dma_wait3A_146, %dma_wait3A_153] : memref<2x4096xf32, #tpu.memory_space<vmem>> -> memref<1x4096xf32, #tpu.memory_space<vmem>>
    %dma_wait3A_155 = tpu.memref_squeeze %dma_wait3A_154 : memref<1x4096xf32, #tpu.memory_space<vmem>> -> memref<4096xf32, #tpu.memory_space<vmem>>
    %dma_wait3A_156 = arith.constant 12288 : i32
    %dma_wait3A_157 = tpu.memref_slice %arg3[%add3A_22, %dma_wait3A_156] : memref<64x16384xf32, #tpu.memory_space<hbm>> -> memref<1x4096xf32, #tpu.memory_space<hbm>>
    %dma_wait3A_158 = tpu.memref_squeeze %dma_wait3A_157 : memref<1x4096xf32, #tpu.memory_space<hbm>> -> memref<4096xf32, #tpu.memory_space<hbm>>
    tpu.wait_dma2 semaphore(%arg11 : memref<!tpu.dma_semaphore, #tpu.memory_space<semaphore_mem>>) src(%dma_wait3A_158 : memref<4096xf32, #tpu.memory_space<hbm>>) dst(%dma_wait3A_155 : memref<4096xf32, #tpu.memory_space<vmem>>)
    %scan3A_159 = arith.constant 0 : i32
    %scan3A_160 = arith.constant 256 : i32
    %scan3A_161 = arith.addi %scan3A_159, %scan3A_160 : i32
    %scan3A_162 = arith.constant 8 : i32
    %scan3A_163:8 = scf.for %scan3A_317 = %scan3A_159 to %scan3A_161 step %scan3A_162 iter_args(%scan3A_318 = %scan3A_144#0, %scan3A_319 = %scan3A_144#1, %scan3A_320 = %scan3A_144#2, %scan3A_321 = %scan3A_144#3, %scan3A_322 = %scan3A_144#4, %scan3A_323 = %scan3A_144#5, %scan3A_324 = %scan3A_144#6, %scan3A_325 = %scan3A_144#7) -> (vector<16xf32>, vector<16xf32>, vector<16xf32>, vector<16xf32>, vector<16xf32>, vector<16xf32>, vector<16xf32>, vector<16xf32>)  : i32 {
      %mul3A_326 = arith.constant 16 : i32
      %mul3A_327 = arith.muli %scan3A_317, %mul3A_326 : i32
      %add3A_328 = arith.constant 12288 : i32
      %add3A_329 = arith.addi %add3A_328, %mul3A_327 : i32
      %get3A = arith.index_cast %add3A_329 : i32 to index
      %get3A_330 = tpu.vector_load %arg7[%get3A] {strides = array<i32>} : memref<16384xi32, #tpu.memory_space<vmem>>, vector<16xi32>,
      %gather3A = tpu.vector_load_idx %arg6[%get3A_330] : memref<100000xf32, #tpu.memory_space<vmem>>[vector<16xi32>], vector<16xf32>,
      %mul3A_331 = arith.constant 16 : i32
      %mul3A_332 = arith.muli %scan3A_317, %mul3A_331 : i32
      %get3A_333 = arith.constant 1 : i32
      %get3A_334 = arith.index_cast %get3A_333 : i32 to index
      %get3A_335 = arith.index_cast %mul3A_332 : i32 to index
      %get3A_336 = tpu.vector_load %arg8[%get3A_334, %get3A_335] {strides = array<i32>} : memref<2x4096xf32, #tpu.memory_space<vmem>>, vector<16xf32>,
      %sub3A = arith.subf %get3A_336, %gather3A : vector<16xf32>
      %mul3A_337 = arith.mulf %sub3A, %sub3A : vector<16xf32>
      %add3A_338 = arith.addf %scan3A_318, %mul3A_337 : vector<16xf32>
      %scan3A_339 = arith.constant 1 : i32
      %scan3A_340 = arith.addi %scan3A_317, %scan3A_339 : i32
      %mul3A_341 = arith.constant 16 : i32
      %mul3A_342 = arith.muli %scan3A_340, %mul3A_341 : i32
      %add3A_343 = arith.constant 12288 : i32
      %add3A_344 = arith.addi %add3A_343, %mul3A_342 : i32
      %get3A_345 = arith.index_cast %add3A_344 : i32 to index
      %get3A_346 = tpu.vector_load %arg7[%get3A_345] {strides = array<i32>} : memref<16384xi32, #tpu.memory_space<vmem>>, vector<16xi32>,
      %gather3A_347 = tpu.vector_load_idx %arg6[%get3A_346] : memref<100000xf32, #tpu.memory_space<vmem>>[vector<16xi32>], vector<16xf32>,
      %mul3A_348 = arith.constant 16 : i32
      %mul3A_349 = arith.muli %scan3A_340, %mul3A_348 : i32
      %get3A_350 = arith.constant 1 : i32
      %get3A_351 = arith.index_cast %get3A_350 : i32 to index
      %get3A_352 = arith.index_cast %mul3A_349 : i32 to index
      %get3A_353 = tpu.vector_load %arg8[%get3A_351, %get3A_352] {strides = array<i32>} : memref<2x4096xf32, #tpu.memory_space<vmem>>, vector<16xf32>,
      %sub3A_354 = arith.subf %get3A_353, %gather3A_347 : vector<16xf32>
      %mul3A_355 = arith.mulf %sub3A_354, %sub3A_354 : vector<16xf32>
      %add3A_356 = arith.addf %scan3A_319, %mul3A_355 : vector<16xf32>
      %scan3A_357 = arith.constant 2 : i32
      %scan3A_358 = arith.addi %scan3A_317, %scan3A_357 : i32
      %mul3A_359 = arith.constant 16 : i32
      %mul3A_360 = arith.muli %scan3A_358, %mul3A_359 : i32
      %add3A_361 = arith.constant 12288 : i32
      %add3A_362 = arith.addi %add3A_361, %mul3A_360 : i32
      %get3A_363 = arith.index_cast %add3A_362 : i32 to index
      %get3A_364 = tpu.vector_load %arg7[%get3A_363] {strides = array<i32>} : memref<16384xi32, #tpu.memory_space<vmem>>, vector<16xi32>,
      %gather3A_365 = tpu.vector_load_idx %arg6[%get3A_364] : memref<100000xf32, #tpu.memory_space<vmem>>[vector<16xi32>], vector<16xf32>,
      %mul3A_366 = arith.constant 16 : i32
      %mul3A_367 = arith.muli %scan3A_358, %mul3A_366 : i32
      %get3A_368 = arith.constant 1 : i32
      %get3A_369 = arith.index_cast %get3A_368 : i32 to index
      %get3A_370 = arith.index_cast %mul3A_367 : i32 to index
      %get3A_371 = tpu.vector_load %arg8[%get3A_369, %get3A_370] {strides = array<i32>} : memref<2x4096xf32, #tpu.memory_space<vmem>>, vector<16xf32>,
      %sub3A_372 = arith.subf %get3A_371, %gather3A_365 : vector<16xf32>
      %mul3A_373 = arith.mulf %sub3A_372, %sub3A_372 : vector<16xf32>
      %add3A_374 = arith.addf %scan3A_320, %mul3A_373 : vector<16xf32>
      %scan3A_375 = arith.constant 3 : i32
      %scan3A_376 = arith.addi %scan3A_317, %scan3A_375 : i32
      %mul3A_377 = arith.constant 16 : i32
      %mul3A_378 = arith.muli %scan3A_376, %mul3A_377 : i32
      %add3A_379 = arith.constant 12288 : i32
      %add3A_380 = arith.addi %add3A_379, %mul3A_378 : i32
      %get3A_381 = arith.index_cast %add3A_380 : i32 to index
      %get3A_382 = tpu.vector_load %arg7[%get3A_381] {strides = array<i32>} : memref<16384xi32, #tpu.memory_space<vmem>>, vector<16xi32>,
      %gather3A_383 = tpu.vector_load_idx %arg6[%get3A_382] : memref<100000xf32, #tpu.memory_space<vmem>>[vector<16xi32>], vector<16xf32>,
      %mul3A_384 = arith.constant 16 : i32
      %mul3A_385 = arith.muli %scan3A_376, %mul3A_384 : i32
      %get3A_386 = arith.constant 1 : i32
      %get3A_387 = arith.index_cast %get3A_386 : i32 to index
      %get3A_388 = arith.index_cast %mul3A_385 : i32 to index
      %get3A_389 = tpu.vector_load %arg8[%get3A_387, %get3A_388] {strides = array<i32>} : memref<2x4096xf32, #tpu.memory_space<vmem>>, vector<16xf32>,
      %sub3A_390 = arith.subf %get3A_389, %gather3A_383 : vector<16xf32>
      %mul3A_391 = arith.mulf %sub3A_390, %sub3A_390 : vector<16xf32>
      %add3A_392 = arith.addf %scan3A_321, %mul3A_391 : vector<16xf32>
      %scan3A_393 = arith.constant 4 : i32
      %scan3A_394 = arith.addi %scan3A_317, %scan3A_393 : i32
      %mul3A_395 = arith.constant 16 : i32
      %mul3A_396 = arith.muli %scan3A_394, %mul3A_395 : i32
      %add3A_397 = arith.constant 12288 : i32
      %add3A_398 = arith.addi %add3A_397, %mul3A_396 : i32
      %get3A_399 = arith.index_cast %add3A_398 : i32 to index
      %get3A_400 = tpu.vector_load %arg7[%get3A_399] {strides = array<i32>} : memref<16384xi32, #tpu.memory_space<vmem>>, vector<16xi32>,
      %gather3A_401 = tpu.vector_load_idx %arg6[%get3A_400] : memref<100000xf32, #tpu.memory_space<vmem>>[vector<16xi32>], vector<16xf32>,
      %mul3A_402 = arith.constant 16 : i32
      %mul3A_403 = arith.muli %scan3A_394, %mul3A_402 : i32
      %get3A_404 = arith.constant 1 : i32
      %get3A_405 = arith.index_cast %get3A_404 : i32 to index
      %get3A_406 = arith.index_cast %mul3A_403 : i32 to index
      %get3A_407 = tpu.vector_load %arg8[%get3A_405, %get3A_406] {strides = array<i32>} : memref<2x4096xf32, #tpu.memory_space<vmem>>, vector<16xf32>,
      %sub3A_408 = arith.subf %get3A_407, %gather3A_401 : vector<16xf32>
      %mul3A_409 = arith.mulf %sub3A_408, %sub3A_408 : vector<16xf32>
      %add3A_410 = arith.addf %scan3A_322, %mul3A_409 : vector<16xf32>
      %scan3A_411 = arith.constant 5 : i32
      %scan3A_412 = arith.addi %scan3A_317, %scan3A_411 : i32
      %mul3A_413 = arith.constant 16 : i32
      %mul3A_414 = arith.muli %scan3A_412, %mul3A_413 : i32
      %add3A_415 = arith.constant 12288 : i32
      %add3A_416 = arith.addi %add3A_415, %mul3A_414 : i32
      %get3A_417 = arith.index_cast %add3A_416 : i32 to index
      %get3A_418 = tpu.vector_load %arg7[%get3A_417] {strides = array<i32>} : memref<16384xi32, #tpu.memory_space<vmem>>, vector<16xi32>,
      %gather3A_419 = tpu.vector_load_idx %arg6[%get3A_418] : memref<100000xf32, #tpu.memory_space<vmem>>[vector<16xi32>], vector<16xf32>,
      %mul3A_420 = arith.constant 16 : i32
      %mul3A_421 = arith.muli %scan3A_412, %mul3A_420 : i32
      %get3A_422 = arith.constant 1 : i32
      %get3A_423 = arith.index_cast %get3A_422 : i32 to index
      %get3A_424 = arith.index_cast %mul3A_421 : i32 to index
      %get3A_425 = tpu.vector_load %arg8[%get3A_423, %get3A_424] {strides = array<i32>} : memref<2x4096xf32, #tpu.memory_space<vmem>>, vector<16xf32>,
      %sub3A_426 = arith.subf %get3A_425, %gather3A_419 : vector<16xf32>
      %mul3A_427 = arith.mulf %sub3A_426, %sub3A_426 : vector<16xf32>
      %add3A_428 = arith.addf %scan3A_323, %mul3A_427 : vector<16xf32>
      %scan3A_429 = arith.constant 6 : i32
      %scan3A_430 = arith.addi %scan3A_317, %scan3A_429 : i32
      %mul3A_431 = arith.constant 16 : i32
      %mul3A_432 = arith.muli %scan3A_430, %mul3A_431 : i32
      %add3A_433 = arith.constant 12288 : i32
      %add3A_434 = arith.addi %add3A_433, %mul3A_432 : i32
      %get3A_435 = arith.index_cast %add3A_434 : i32 to index
      %get3A_436 = tpu.vector_load %arg7[%get3A_435] {strides = array<i32>} : memref<16384xi32, #tpu.memory_space<vmem>>, vector<16xi32>,
      %gather3A_437 = tpu.vector_load_idx %arg6[%get3A_436] : memref<100000xf32, #tpu.memory_space<vmem>>[vector<16xi32>], vector<16xf32>,
      %mul3A_438 = arith.constant 16 : i32
      %mul3A_439 = arith.muli %scan3A_430, %mul3A_438 : i32
      %get3A_440 = arith.constant 1 : i32
      %get3A_441 = arith.index_cast %get3A_440 : i32 to index
      %get3A_442 = arith.index_cast %mul3A_439 : i32 to index
      %get3A_443 = tpu.vector_load %arg8[%get3A_441, %get3A_442] {strides = array<i32>} : memref<2x4096xf32, #tpu.memory_space<vmem>>, vector<16xf32>,
      %sub3A_444 = arith.subf %get3A_443, %gather3A_437 : vector<16xf32>
      %mul3A_445 = arith.mulf %sub3A_444, %sub3A_444 : vector<16xf32>
      %add3A_446 = arith.addf %scan3A_324, %mul3A_445 : vector<16xf32>
      %scan3A_447 = arith.constant 7 : i32
      %scan3A_448 = arith.addi %scan3A_317, %scan3A_447 : i32
      %mul3A_449 = arith.constant 16 : i32
      %mul3A_450 = arith.muli %scan3A_448, %mul3A_449 : i32
      %add3A_451 = arith.constant 12288 : i32
      %add3A_452 = arith.addi %add3A_451, %mul3A_450 : i32
      %get3A_453 = arith.index_cast %add3A_452 : i32 to index
      %get3A_454 = tpu.vector_load %arg7[%get3A_453] {strides = array<i32>} : memref<16384xi32, #tpu.memory_space<vmem>>, vector<16xi32>,
      %gather3A_455 = tpu.vector_load_idx %arg6[%get3A_454] : memref<100000xf32, #tpu.memory_space<vmem>>[vector<16xi32>], vector<16xf32>,
      %mul3A_456 = arith.constant 16 : i32
      %mul3A_457 = arith.muli %scan3A_448, %mul3A_456 : i32
      %get3A_458 = arith.constant 1 : i32
      %get3A_459 = arith.index_cast %get3A_458 : i32 to index
      %get3A_460 = arith.index_cast %mul3A_457 : i32 to index
      %get3A_461 = tpu.vector_load %arg8[%get3A_459, %get3A_460] {strides = array<i32>} : memref<2x4096xf32, #tpu.memory_space<vmem>>, vector<16xf32>,
      %sub3A_462 = arith.subf %get3A_461, %gather3A_455 : vector<16xf32>
      %mul3A_463 = arith.mulf %sub3A_462, %sub3A_462 : vector<16xf32>
      %add3A_464 = arith.addf %scan3A_325, %mul3A_463 : vector<16xf32>
      scf.yield %add3A_338, %add3A_356, %add3A_374, %add3A_392, %add3A_410, %add3A_428, %add3A_446, %add3A_464 : vector<16xf32>, vector<16xf32>, vector<16xf32>, vector<16xf32>, vector<16xf32>, vector<16xf32>, vector<16xf32>, vector<16xf32>
    }
    %scan3A_164 = arith.constant 256 : i32
    %mul3A_165 = arith.constant 2 : i32
    %mul3A_166 = arith.muli %add3A, %mul3A_165 : i32
    %add3A_167 = arith.constant 1 : i32
    %add3A_168 = arith.addi %mul3A_166, %add3A_167 : i32
    %dma_start3A_169 = arith.constant 0 : i32
    %dma_start3A_170 = tpu.memref_slice %arg4[%add3A_168, %dma_start3A_169] : memref<64x100000xf32, #tpu.memory_space<hbm>> -> memref<1x100000xf32, #tpu.memory_space<hbm>>
    %dma_start3A_171 = tpu.memref_squeeze %dma_start3A_170 : memref<1x100000xf32, #tpu.memory_space<hbm>> -> memref<100000xf32, #tpu.memory_space<hbm>>
    %dma_start3A_172 = arith.constant 0 : i32
    %dma_start3A_173 = tpu.memref_slice %arg4[%add3A_168, %dma_start3A_172] : memref<64x100000xf32, #tpu.memory_space<hbm>> -> memref<1x100000xf32, #tpu.memory_space<hbm>>
    %dma_start3A_174 = tpu.memref_squeeze %dma_start3A_173 : memref<1x100000xf32, #tpu.memory_space<hbm>> -> memref<100000xf32, #tpu.memory_space<hbm>>
    tpu.enqueue_dma source(%dma_start3A_174 : memref<100000xf32, #tpu.memory_space<hbm>>) target(%arg6 : memref<100000xf32, #tpu.memory_space<vmem>>) target_semaphore(%arg10 : memref<!tpu.dma_semaphore, #tpu.memory_space<semaphore_mem>>)
    %dma_start3A_175 = arith.constant 0 : i32
    %dma_start3A_176 = arith.constant 0 : i32
    %dma_start3A_177 = tpu.memref_slice %arg8[%dma_start3A_175, %dma_start3A_176] : memref<2x4096xf32, #tpu.memory_space<vmem>> -> memref<1x4096xf32, #tpu.memory_space<vmem>>
    %dma_start3A_178 = tpu.memref_squeeze %dma_start3A_177 : memref<1x4096xf32, #tpu.memory_space<vmem>> -> memref<4096xf32, #tpu.memory_space<vmem>>
    %dma_start3A_179 = arith.constant 0 : i32
    %dma_start3A_180 = tpu.memref_slice %arg3[%add3A_168, %dma_start3A_179] : memref<64x16384xf32, #tpu.memory_space<hbm>> -> memref<1x4096xf32, #tpu.memory_space<hbm>>
    %dma_start3A_181 = tpu.memref_squeeze %dma_start3A_180 : memref<1x4096xf32, #tpu.memory_space<hbm>> -> memref<4096xf32, #tpu.memory_space<hbm>>
    %dma_start3A_182 = arith.constant 0 : i32
    %dma_start3A_183 = tpu.memref_slice %arg8[%dma_start3A_175, %dma_start3A_182] : memref<2x4096xf32, #tpu.memory_space<vmem>> -> memref<1x4096xf32, #tpu.memory_space<vmem>>
    %dma_start3A_184 = tpu.memref_squeeze %dma_start3A_183 : memref<1x4096xf32, #tpu.memory_space<vmem>> -> memref<4096xf32, #tpu.memory_space<vmem>>
    %dma_start3A_185 = arith.constant 0 : i32
    %dma_start3A_186 = tpu.memref_slice %arg3[%add3A_168, %dma_start3A_185] : memref<64x16384xf32, #tpu.memory_space<hbm>> -> memref<1x4096xf32, #tpu.memory_space<hbm>>
    %dma_start3A_187 = tpu.memref_squeeze %dma_start3A_186 : memref<1x4096xf32, #tpu.memory_space<hbm>> -> memref<4096xf32, #tpu.memory_space<hbm>>
    tpu.enqueue_dma source(%dma_start3A_187 : memref<4096xf32, #tpu.memory_space<hbm>>) target(%dma_start3A_184 : memref<4096xf32, #tpu.memory_space<vmem>>) target_semaphore(%arg11 : memref<!tpu.dma_semaphore, #tpu.memory_space<semaphore_mem>>)
    %dma_start3A_188 = arith.constant 1 : i32
    %dma_start3A_189 = arith.constant 0 : i32
    %dma_start3A_190 = tpu.memref_slice %arg8[%dma_start3A_188, %dma_start3A_189] : memref<2x4096xf32, #tpu.memory_space<vmem>> -> memref<1x4096xf32, #tpu.memory_space<vmem>>
    %dma_start3A_191 = tpu.memref_squeeze %dma_start3A_190 : memref<1x4096xf32, #tpu.memory_space<vmem>> -> memref<4096xf32, #tpu.memory_space<vmem>>
    %dma_start3A_192 = arith.constant 4096 : i32
    %dma_start3A_193 = tpu.memref_slice %arg3[%add3A_168, %dma_start3A_192] : memref<64x16384xf32, #tpu.memory_space<hbm>> -> memref<1x4096xf32, #tpu.memory_space<hbm>>
    %dma_start3A_194 = tpu.memref_squeeze %dma_start3A_193 : memref<1x4096xf32, #tpu.memory_space<hbm>> -> memref<4096xf32, #tpu.memory_space<hbm>>
    %dma_start3A_195 = arith.constant 0 : i32
    %dma_start3A_196 = tpu.memref_slice %arg8[%dma_start3A_188, %dma_start3A_195] : memref<2x4096xf32, #tpu.memory_space<vmem>> -> memref<1x4096xf32, #tpu.memory_space<vmem>>
    %dma_start3A_197 = tpu.memref_squeeze %dma_start3A_196 : memref<1x4096xf32, #tpu.memory_space<vmem>> -> memref<4096xf32, #tpu.memory_space<vmem>>
    %dma_start3A_198 = arith.constant 4096 : i32
    %dma_start3A_199 = tpu.memref_slice %arg3[%add3A_168, %dma_start3A_198] : memref<64x16384xf32, #tpu.memory_space<hbm>> -> memref<1x4096xf32, #tpu.memory_space<hbm>>
    %dma_start3A_200 = tpu.memref_squeeze %dma_start3A_199 : memref<1x4096xf32, #tpu.memory_space<hbm>> -> memref<4096xf32, #tpu.memory_space<hbm>>
    tpu.enqueue_dma source(%dma_start3A_200 : memref<4096xf32, #tpu.memory_space<hbm>>) target(%dma_start3A_197 : memref<4096xf32, #tpu.memory_space<vmem>>) target_semaphore(%arg11 : memref<!tpu.dma_semaphore, #tpu.memory_space<semaphore_mem>>)
    %dma_wait3A_201 = arith.constant 0 : i32
    %dma_wait3A_202 = tpu.memref_slice %arg4[%add3A_168, %dma_wait3A_201] : memref<64x100000xf32, #tpu.memory_space<hbm>> -> memref<1x100000xf32, #tpu.memory_space<hbm>>
    %dma_wait3A_203 = tpu.memref_squeeze %dma_wait3A_202 : memref<1x100000xf32, #tpu.memory_space<hbm>> -> memref<100000xf32, #tpu.memory_space<hbm>>
    %dma_wait3A_204 = arith.constant 0 : i32
    %dma_wait3A_205 = tpu.memref_slice %arg4[%add3A_168, %dma_wait3A_204] : memref<64x100000xf32, #tpu.memory_space<hbm>> -> memref<1x100000xf32, #tpu.memory_space<hbm>>
    %dma_wait3A_206 = tpu.memref_squeeze %dma_wait3A_205 : memref<1x100000xf32, #tpu.memory_space<hbm>> -> memref<100000xf32, #tpu.memory_space<hbm>>
    tpu.wait_dma2 semaphore(%arg10 : memref<!tpu.dma_semaphore, #tpu.memory_space<semaphore_mem>>) src(%dma_wait3A_206 : memref<100000xf32, #tpu.memory_space<hbm>>) dst(%arg6 : memref<100000xf32, #tpu.memory_space<vmem>>)
    %dma_wait3A_207 = arith.constant 0 : i32
    %dma_wait3A_208 = arith.constant 0 : i32
    %dma_wait3A_209 = tpu.memref_slice %arg8[%dma_wait3A_207, %dma_wait3A_208] : memref<2x4096xf32, #tpu.memory_space<vmem>> -> memref<1x4096xf32, #tpu.memory_space<vmem>>
    %dma_wait3A_210 = tpu.memref_squeeze %dma_wait3A_209 : memref<1x4096xf32, #tpu.memory_space<vmem>> -> memref<4096xf32, #tpu.memory_space<vmem>>
    %dma_wait3A_211 = arith.constant 0 : i32
    %dma_wait3A_212 = tpu.memref_slice %arg3[%add3A_168, %dma_wait3A_211] : memref<64x16384xf32, #tpu.memory_space<hbm>> -> memref<1x4096xf32, #tpu.memory_space<hbm>>
    %dma_wait3A_213 = tpu.memref_squeeze %dma_wait3A_212 : memref<1x4096xf32, #tpu.memory_space<hbm>> -> memref<4096xf32, #tpu.memory_space<hbm>>
    %dma_wait3A_214 = arith.constant 0 : i32
    %dma_wait3A_215 = tpu.memref_slice %arg8[%dma_wait3A_207, %dma_wait3A_214] : memref<2x4096xf32, #tpu.memory_space<vmem>> -> memref<1x4096xf32, #tpu.memory_space<vmem>>
    %dma_wait3A_216 = tpu.memref_squeeze %dma_wait3A_215 : memref<1x4096xf32, #tpu.memory_space<vmem>> -> memref<4096xf32, #tpu.memory_space<vmem>>
    %dma_wait3A_217 = arith.constant 0 : i32
    %dma_wait3A_218 = tpu.memref_slice %arg3[%add3A_168, %dma_wait3A_217] : memref<64x16384xf32, #tpu.memory_space<hbm>> -> memref<1x4096xf32, #tpu.memory_space<hbm>>
    %dma_wait3A_219 = tpu.memref_squeeze %dma_wait3A_218 : memref<1x4096xf32, #tpu.memory_space<hbm>> -> memref<4096xf32, #tpu.memory_space<hbm>>
    tpu.wait_dma2 semaphore(%arg11 : memref<!tpu.dma_semaphore, #tpu.memory_space<semaphore_mem>>) src(%dma_wait3A_219 : memref<4096xf32, #tpu.memory_space<hbm>>) dst(%dma_wait3A_216 : memref<4096xf32, #tpu.memory_space<vmem>>)
    %scan3A_220 = arith.constant 0 : i32
    %scan3A_221 = arith.constant 256 : i32
    %scan3A_222 = arith.addi %scan3A_220, %scan3A_221 : i32
    %scan3A_223 = arith.constant 8 : i32
    %scan3A_224:8 = scf.for %scan3A_317 = %scan3A_220 to %scan3A_222 step %scan3A_223 iter_args(%scan3A_318 = %scan3A_163#0, %scan3A_319 = %scan3A_163#1, %scan3A_320 = %scan3A_163#2, %scan3A_321 = %scan3A_163#3, %scan3A_322 = %scan3A_163#4, %scan3A_323 = %scan3A_163#5, %scan3A_324 = %scan3A_163#6, %scan3A_325 = %scan3A_163#7) -> (vector<16xf32>, vector<16xf32>, vector<16xf32>, vector<16xf32>, vector<16xf32>, vector<16xf32>, vector<16xf32>, vector<16xf32>)  : i32 {
      %mul3A_326 = arith.constant 16 : i32
      %mul3A_327 = arith.muli %scan3A_317, %mul3A_326 : i32
      %add3A_328 = arith.constant 0 : i32
      %add3A_329 = arith.addi %add3A_328, %mul3A_327 : i32
      %get3A = arith.index_cast %add3A_329 : i32 to index
      %get3A_330 = tpu.vector_load %arg7[%get3A] {strides = array<i32>} : memref<16384xi32, #tpu.memory_space<vmem>>, vector<16xi32>,
      %gather3A = tpu.vector_load_idx %arg6[%get3A_330] : memref<100000xf32, #tpu.memory_space<vmem>>[vector<16xi32>], vector<16xf32>,
      %mul3A_331 = arith.constant 16 : i32
      %mul3A_332 = arith.muli %scan3A_317, %mul3A_331 : i32
      %get3A_333 = arith.constant 0 : i32
      %get3A_334 = arith.index_cast %get3A_333 : i32 to index
      %get3A_335 = arith.index_cast %mul3A_332 : i32 to index
      %get3A_336 = tpu.vector_load %arg8[%get3A_334, %get3A_335] {strides = array<i32>} : memref<2x4096xf32, #tpu.memory_space<vmem>>, vector<16xf32>,
      %sub3A = arith.subf %get3A_336, %gather3A : vector<16xf32>
      %mul3A_337 = arith.mulf %sub3A, %sub3A : vector<16xf32>
      %add3A_338 = arith.addf %scan3A_318, %mul3A_337 : vector<16xf32>
      %scan3A_339 = arith.constant 1 : i32
      %scan3A_340 = arith.addi %scan3A_317, %scan3A_339 : i32
      %mul3A_341 = arith.constant 16 : i32
      %mul3A_342 = arith.muli %scan3A_340, %mul3A_341 : i32
      %add3A_343 = arith.constant 0 : i32
      %add3A_344 = arith.addi %add3A_343, %mul3A_342 : i32
      %get3A_345 = arith.index_cast %add3A_344 : i32 to index
      %get3A_346 = tpu.vector_load %arg7[%get3A_345] {strides = array<i32>} : memref<16384xi32, #tpu.memory_space<vmem>>, vector<16xi32>,
      %gather3A_347 = tpu.vector_load_idx %arg6[%get3A_346] : memref<100000xf32, #tpu.memory_space<vmem>>[vector<16xi32>], vector<16xf32>,
      %mul3A_348 = arith.constant 16 : i32
      %mul3A_349 = arith.muli %scan3A_340, %mul3A_348 : i32
      %get3A_350 = arith.constant 0 : i32
      %get3A_351 = arith.index_cast %get3A_350 : i32 to index
      %get3A_352 = arith.index_cast %mul3A_349 : i32 to index
      %get3A_353 = tpu.vector_load %arg8[%get3A_351, %get3A_352] {strides = array<i32>} : memref<2x4096xf32, #tpu.memory_space<vmem>>, vector<16xf32>,
      %sub3A_354 = arith.subf %get3A_353, %gather3A_347 : vector<16xf32>
      %mul3A_355 = arith.mulf %sub3A_354, %sub3A_354 : vector<16xf32>
      %add3A_356 = arith.addf %scan3A_319, %mul3A_355 : vector<16xf32>
      %scan3A_357 = arith.constant 2 : i32
      %scan3A_358 = arith.addi %scan3A_317, %scan3A_357 : i32
      %mul3A_359 = arith.constant 16 : i32
      %mul3A_360 = arith.muli %scan3A_358, %mul3A_359 : i32
      %add3A_361 = arith.constant 0 : i32
      %add3A_362 = arith.addi %add3A_361, %mul3A_360 : i32
      %get3A_363 = arith.index_cast %add3A_362 : i32 to index
      %get3A_364 = tpu.vector_load %arg7[%get3A_363] {strides = array<i32>} : memref<16384xi32, #tpu.memory_space<vmem>>, vector<16xi32>,
      %gather3A_365 = tpu.vector_load_idx %arg6[%get3A_364] : memref<100000xf32, #tpu.memory_space<vmem>>[vector<16xi32>], vector<16xf32>,
      %mul3A_366 = arith.constant 16 : i32
      %mul3A_367 = arith.muli %scan3A_358, %mul3A_366 : i32
      %get3A_368 = arith.constant 0 : i32
      %get3A_369 = arith.index_cast %get3A_368 : i32 to index
      %get3A_370 = arith.index_cast %mul3A_367 : i32 to index
      %get3A_371 = tpu.vector_load %arg8[%get3A_369, %get3A_370] {strides = array<i32>} : memref<2x4096xf32, #tpu.memory_space<vmem>>, vector<16xf32>,
      %sub3A_372 = arith.subf %get3A_371, %gather3A_365 : vector<16xf32>
      %mul3A_373 = arith.mulf %sub3A_372, %sub3A_372 : vector<16xf32>
      %add3A_374 = arith.addf %scan3A_320, %mul3A_373 : vector<16xf32>
      %scan3A_375 = arith.constant 3 : i32
      %scan3A_376 = arith.addi %scan3A_317, %scan3A_375 : i32
      %mul3A_377 = arith.constant 16 : i32
      %mul3A_378 = arith.muli %scan3A_376, %mul3A_377 : i32
      %add3A_379 = arith.constant 0 : i32
      %add3A_380 = arith.addi %add3A_379, %mul3A_378 : i32
      %get3A_381 = arith.index_cast %add3A_380 : i32 to index
      %get3A_382 = tpu.vector_load %arg7[%get3A_381] {strides = array<i32>} : memref<16384xi32, #tpu.memory_space<vmem>>, vector<16xi32>,
      %gather3A_383 = tpu.vector_load_idx %arg6[%get3A_382] : memref<100000xf32, #tpu.memory_space<vmem>>[vector<16xi32>], vector<16xf32>,
      %mul3A_384 = arith.constant 16 : i32
      %mul3A_385 = arith.muli %scan3A_376, %mul3A_384 : i32
      %get3A_386 = arith.constant 0 : i32
      %get3A_387 = arith.index_cast %get3A_386 : i32 to index
      %get3A_388 = arith.index_cast %mul3A_385 : i32 to index
      %get3A_389 = tpu.vector_load %arg8[%get3A_387, %get3A_388] {strides = array<i32>} : memref<2x4096xf32, #tpu.memory_space<vmem>>, vector<16xf32>,
      %sub3A_390 = arith.subf %get3A_389, %gather3A_383 : vector<16xf32>
      %mul3A_391 = arith.mulf %sub3A_390, %sub3A_390 : vector<16xf32>
      %add3A_392 = arith.addf %scan3A_321, %mul3A_391 : vector<16xf32>
      %scan3A_393 = arith.constant 4 : i32
      %scan3A_394 = arith.addi %scan3A_317, %scan3A_393 : i32
      %mul3A_395 = arith.constant 16 : i32
      %mul3A_396 = arith.muli %scan3A_394, %mul3A_395 : i32
      %add3A_397 = arith.constant 0 : i32
      %add3A_398 = arith.addi %add3A_397, %mul3A_396 : i32
      %get3A_399 = arith.index_cast %add3A_398 : i32 to index
      %get3A_400 = tpu.vector_load %arg7[%get3A_399] {strides = array<i32>} : memref<16384xi32, #tpu.memory_space<vmem>>, vector<16xi32>,
      %gather3A_401 = tpu.vector_load_idx %arg6[%get3A_400] : memref<100000xf32, #tpu.memory_space<vmem>>[vector<16xi32>], vector<16xf32>,
      %mul3A_402 = arith.constant 16 : i32
      %mul3A_403 = arith.muli %scan3A_394, %mul3A_402 : i32
      %get3A_404 = arith.constant 0 : i32
      %get3A_405 = arith.index_cast %get3A_404 : i32 to index
      %get3A_406 = arith.index_cast %mul3A_403 : i32 to index
      %get3A_407 = tpu.vector_load %arg8[%get3A_405, %get3A_406] {strides = array<i32>} : memref<2x4096xf32, #tpu.memory_space<vmem>>, vector<16xf32>,
      %sub3A_408 = arith.subf %get3A_407, %gather3A_401 : vector<16xf32>
      %mul3A_409 = arith.mulf %sub3A_408, %sub3A_408 : vector<16xf32>
      %add3A_410 = arith.addf %scan3A_322, %mul3A_409 : vector<16xf32>
      %scan3A_411 = arith.constant 5 : i32
      %scan3A_412 = arith.addi %scan3A_317, %scan3A_411 : i32
      %mul3A_413 = arith.constant 16 : i32
      %mul3A_414 = arith.muli %scan3A_412, %mul3A_413 : i32
      %add3A_415 = arith.constant 0 : i32
      %add3A_416 = arith.addi %add3A_415, %mul3A_414 : i32
      %get3A_417 = arith.index_cast %add3A_416 : i32 to index
      %get3A_418 = tpu.vector_load %arg7[%get3A_417] {strides = array<i32>} : memref<16384xi32, #tpu.memory_space<vmem>>, vector<16xi32>,
      %gather3A_419 = tpu.vector_load_idx %arg6[%get3A_418] : memref<100000xf32, #tpu.memory_space<vmem>>[vector<16xi32>], vector<16xf32>,
      %mul3A_420 = arith.constant 16 : i32
      %mul3A_421 = arith.muli %scan3A_412, %mul3A_420 : i32
      %get3A_422 = arith.constant 0 : i32
      %get3A_423 = arith.index_cast %get3A_422 : i32 to index
      %get3A_424 = arith.index_cast %mul3A_421 : i32 to index
      %get3A_425 = tpu.vector_load %arg8[%get3A_423, %get3A_424] {strides = array<i32>} : memref<2x4096xf32, #tpu.memory_space<vmem>>, vector<16xf32>,
      %sub3A_426 = arith.subf %get3A_425, %gather3A_419 : vector<16xf32>
      %mul3A_427 = arith.mulf %sub3A_426, %sub3A_426 : vector<16xf32>
      %add3A_428 = arith.addf %scan3A_323, %mul3A_427 : vector<16xf32>
      %scan3A_429 = arith.constant 6 : i32
      %scan3A_430 = arith.addi %scan3A_317, %scan3A_429 : i32
      %mul3A_431 = arith.constant 16 : i32
      %mul3A_432 = arith.muli %scan3A_430, %mul3A_431 : i32
      %add3A_433 = arith.constant 0 : i32
      %add3A_434 = arith.addi %add3A_433, %mul3A_432 : i32
      %get3A_435 = arith.index_cast %add3A_434 : i32 to index
      %get3A_436 = tpu.vector_load %arg7[%get3A_435] {strides = array<i32>} : memref<16384xi32, #tpu.memory_space<vmem>>, vector<16xi32>,
      %gather3A_437 = tpu.vector_load_idx %arg6[%get3A_436] : memref<100000xf32, #tpu.memory_space<vmem>>[vector<16xi32>], vector<16xf32>,
      %mul3A_438 = arith.constant 16 : i32
      %mul3A_439 = arith.muli %scan3A_430, %mul3A_438 : i32
      %get3A_440 = arith.constant 0 : i32
      %get3A_441 = arith.index_cast %get3A_440 : i32 to index
      %get3A_442 = arith.index_cast %mul3A_439 : i32 to index
      %get3A_443 = tpu.vector_load %arg8[%get3A_441, %get3A_442] {strides = array<i32>} : memref<2x4096xf32, #tpu.memory_space<vmem>>, vector<16xf32>,
      %sub3A_444 = arith.subf %get3A_443, %gather3A_437 : vector<16xf32>
      %mul3A_445 = arith.mulf %sub3A_444, %sub3A_444 : vector<16xf32>
      %add3A_446 = arith.addf %scan3A_324, %mul3A_445 : vector<16xf32>
      %scan3A_447 = arith.constant 7 : i32
      %scan3A_448 = arith.addi %scan3A_317, %scan3A_447 : i32
      %mul3A_449 = arith.constant 16 : i32
      %mul3A_450 = arith.muli %scan3A_448, %mul3A_449 : i32
      %add3A_451 = arith.constant 0 : i32
      %add3A_452 = arith.addi %add3A_451, %mul3A_450 : i32
      %get3A_453 = arith.index_cast %add3A_452 : i32 to index
      %get3A_454 = tpu.vector_load %arg7[%get3A_453] {strides = array<i32>} : memref<16384xi32, #tpu.memory_space<vmem>>, vector<16xi32>,
      %gather3A_455 = tpu.vector_load_idx %arg6[%get3A_454] : memref<100000xf32, #tpu.memory_space<vmem>>[vector<16xi32>], vector<16xf32>,
      %mul3A_456 = arith.constant 16 : i32
      %mul3A_457 = arith.muli %scan3A_448, %mul3A_456 : i32
      %get3A_458 = arith.constant 0 : i32
      %get3A_459 = arith.index_cast %get3A_458 : i32 to index
      %get3A_460 = arith.index_cast %mul3A_457 : i32 to index
      %get3A_461 = tpu.vector_load %arg8[%get3A_459, %get3A_460] {strides = array<i32>} : memref<2x4096xf32, #tpu.memory_space<vmem>>, vector<16xf32>,
      %sub3A_462 = arith.subf %get3A_461, %gather3A_455 : vector<16xf32>
      %mul3A_463 = arith.mulf %sub3A_462, %sub3A_462 : vector<16xf32>
      %add3A_464 = arith.addf %scan3A_325, %mul3A_463 : vector<16xf32>
      scf.yield %add3A_338, %add3A_356, %add3A_374, %add3A_392, %add3A_410, %add3A_428, %add3A_446, %add3A_464 : vector<16xf32>, vector<16xf32>, vector<16xf32>, vector<16xf32>, vector<16xf32>, vector<16xf32>, vector<16xf32>, vector<16xf32>
    }
    %scan3A_225 = arith.constant 256 : i32
    %dma_start3A_226 = arith.constant 0 : i32
    %dma_start3A_227 = arith.constant 0 : i32
    %dma_start3A_228 = tpu.memref_slice %arg8[%dma_start3A_226, %dma_start3A_227] : memref<2x4096xf32, #tpu.memory_space<vmem>> -> memref<1x4096xf32, #tpu.memory_space<vmem>>
    %dma_start3A_229 = tpu.memref_squeeze %dma_start3A_228 : memref<1x4096xf32, #tpu.memory_space<vmem>> -> memref<4096xf32, #tpu.memory_space<vmem>>
    %dma_start3A_230 = arith.constant 8192 : i32
    %dma_start3A_231 = tpu.memref_slice %arg3[%add3A_168, %dma_start3A_230] : memref<64x16384xf32, #tpu.memory_space<hbm>> -> memref<1x4096xf32, #tpu.memory_space<hbm>>
    %dma_start3A_232 = tpu.memref_squeeze %dma_start3A_231 : memref<1x4096xf32, #tpu.memory_space<hbm>> -> memref<4096xf32, #tpu.memory_space<hbm>>
    %dma_start3A_233 = arith.constant 0 : i32
    %dma_start3A_234 = tpu.memref_slice %arg8[%dma_start3A_226, %dma_start3A_233] : memref<2x4096xf32, #tpu.memory_space<vmem>> -> memref<1x4096xf32, #tpu.memory_space<vmem>>
    %dma_start3A_235 = tpu.memref_squeeze %dma_start3A_234 : memref<1x4096xf32, #tpu.memory_space<vmem>> -> memref<4096xf32, #tpu.memory_space<vmem>>
    %dma_start3A_236 = arith.constant 8192 : i32
    %dma_start3A_237 = tpu.memref_slice %arg3[%add3A_168, %dma_start3A_236] : memref<64x16384xf32, #tpu.memory_space<hbm>> -> memref<1x4096xf32, #tpu.memory_space<hbm>>
    %dma_start3A_238 = tpu.memref_squeeze %dma_start3A_237 : memref<1x4096xf32, #tpu.memory_space<hbm>> -> memref<4096xf32, #tpu.memory_space<hbm>>
    tpu.enqueue_dma source(%dma_start3A_238 : memref<4096xf32, #tpu.memory_space<hbm>>) target(%dma_start3A_235 : memref<4096xf32, #tpu.memory_space<vmem>>) target_semaphore(%arg11 : memref<!tpu.dma_semaphore, #tpu.memory_space<semaphore_mem>>)
    %dma_wait3A_239 = arith.constant 1 : i32
    %dma_wait3A_240 = arith.constant 0 : i32
    %dma_wait3A_241 = tpu.memref_slice %arg8[%dma_wait3A_239, %dma_wait3A_240] : memref<2x4096xf32, #tpu.memory_space<vmem>> -> memref<1x4096xf32, #tpu.memory_space<vmem>>
    %dma_wait3A_242 = tpu.memref_squeeze %dma_wait3A_241 : memref<1x4096xf32, #tpu.memory_space<vmem>> -> memref<4096xf32, #tpu.memory_space<vmem>>
    %dma_wait3A_243 = arith.constant 4096 : i32
    %dma_wait3A_244 = tpu.memref_slice %arg3[%add3A_168, %dma_wait3A_243] : memref<64x16384xf32, #tpu.memory_space<hbm>> -> memref<1x4096xf32, #tpu.memory_space<hbm>>
    %dma_wait3A_245 = tpu.memref_squeeze %dma_wait3A_244 : memref<1x4096xf32, #tpu.memory_space<hbm>> -> memref<4096xf32, #tpu.memory_space<hbm>>
    %dma_wait3A_246 = arith.constant 0 : i32
    %dma_wait3A_247 = tpu.memref_slice %arg8[%dma_wait3A_239, %dma_wait3A_246] : memref<2x4096xf32, #tpu.memory_space<vmem>> -> memref<1x4096xf32, #tpu.memory_space<vmem>>
    %dma_wait3A_248 = tpu.memref_squeeze %dma_wait3A_247 : memref<1x4096xf32, #tpu.memory_space<vmem>> -> memref<4096xf32, #tpu.memory_space<vmem>>
    %dma_wait3A_249 = arith.constant 4096 : i32
    %dma_wait3A_250 = tpu.memref_slice %arg3[%add3A_168, %dma_wait3A_249] : memref<64x16384xf32, #tpu.memory_space<hbm>> -> memref<1x4096xf32, #tpu.memory_space<hbm>>
    %dma_wait3A_251 = tpu.memref_squeeze %dma_wait3A_250 : memref<1x4096xf32, #tpu.memory_space<hbm>> -> memref<4096xf32, #tpu.memory_space<hbm>>
    tpu.wait_dma2 semaphore(%arg11 : memref<!tpu.dma_semaphore, #tpu.memory_space<semaphore_mem>>) src(%dma_wait3A_251 : memref<4096xf32, #tpu.memory_space<hbm>>) dst(%dma_wait3A_248 : memref<4096xf32, #tpu.memory_space<vmem>>)
    %scan3A_252 = arith.constant 0 : i32
    %scan3A_253 = arith.constant 256 : i32
    %scan3A_254 = arith.addi %scan3A_252, %scan3A_253 : i32
    %scan3A_255 = arith.constant 8 : i32
    %scan3A_256:8 = scf.for %scan3A_317 = %scan3A_252 to %scan3A_254 step %scan3A_255 iter_args(%scan3A_318 = %scan3A_224#0, %scan3A_319 = %scan3A_224#1, %scan3A_320 = %scan3A_224#2, %scan3A_321 = %scan3A_224#3, %scan3A_322 = %scan3A_224#4, %scan3A_323 = %scan3A_224#5, %scan3A_324 = %scan3A_224#6, %scan3A_325 = %scan3A_224#7) -> (vector<16xf32>, vector<16xf32>, vector<16xf32>, vector<16xf32>, vector<16xf32>, vector<16xf32>, vector<16xf32>, vector<16xf32>)  : i32 {
      %mul3A_326 = arith.constant 16 : i32
      %mul3A_327 = arith.muli %scan3A_317, %mul3A_326 : i32
      %add3A_328 = arith.constant 4096 : i32
      %add3A_329 = arith.addi %add3A_328, %mul3A_327 : i32
      %get3A = arith.index_cast %add3A_329 : i32 to index
      %get3A_330 = tpu.vector_load %arg7[%get3A] {strides = array<i32>} : memref<16384xi32, #tpu.memory_space<vmem>>, vector<16xi32>,
      %gather3A = tpu.vector_load_idx %arg6[%get3A_330] : memref<100000xf32, #tpu.memory_space<vmem>>[vector<16xi32>], vector<16xf32>,
      %mul3A_331 = arith.constant 16 : i32
      %mul3A_332 = arith.muli %scan3A_317, %mul3A_331 : i32
      %get3A_333 = arith.constant 1 : i32
      %get3A_334 = arith.index_cast %get3A_333 : i32 to index
      %get3A_335 = arith.index_cast %mul3A_332 : i32 to index
      %get3A_336 = tpu.vector_load %arg8[%get3A_334, %get3A_335] {strides = array<i32>} : memref<2x4096xf32, #tpu.memory_space<vmem>>, vector<16xf32>,
      %sub3A = arith.subf %get3A_336, %gather3A : vector<16xf32>
      %mul3A_337 = arith.mulf %sub3A, %sub3A : vector<16xf32>
      %add3A_338 = arith.addf %scan3A_318, %mul3A_337 : vector<16xf32>
      %scan3A_339 = arith.constant 1 : i32
      %scan3A_340 = arith.addi %scan3A_317, %scan3A_339 : i32
      %mul3A_341 = arith.constant 16 : i32
      %mul3A_342 = arith.muli %scan3A_340, %mul3A_341 : i32
      %add3A_343 = arith.constant 4096 : i32
      %add3A_344 = arith.addi %add3A_343, %mul3A_342 : i32
      %get3A_345 = arith.index_cast %add3A_344 : i32 to index
      %get3A_346 = tpu.vector_load %arg7[%get3A_345] {strides = array<i32>} : memref<16384xi32, #tpu.memory_space<vmem>>, vector<16xi32>,
      %gather3A_347 = tpu.vector_load_idx %arg6[%get3A_346] : memref<100000xf32, #tpu.memory_space<vmem>>[vector<16xi32>], vector<16xf32>,
      %mul3A_348 = arith.constant 16 : i32
      %mul3A_349 = arith.muli %scan3A_340, %mul3A_348 : i32
      %get3A_350 = arith.constant 1 : i32
      %get3A_351 = arith.index_cast %get3A_350 : i32 to index
      %get3A_352 = arith.index_cast %mul3A_349 : i32 to index
      %get3A_353 = tpu.vector_load %arg8[%get3A_351, %get3A_352] {strides = array<i32>} : memref<2x4096xf32, #tpu.memory_space<vmem>>, vector<16xf32>,
      %sub3A_354 = arith.subf %get3A_353, %gather3A_347 : vector<16xf32>
      %mul3A_355 = arith.mulf %sub3A_354, %sub3A_354 : vector<16xf32>
      %add3A_356 = arith.addf %scan3A_319, %mul3A_355 : vector<16xf32>
      %scan3A_357 = arith.constant 2 : i32
      %scan3A_358 = arith.addi %scan3A_317, %scan3A_357 : i32
      %mul3A_359 = arith.constant 16 : i32
      %mul3A_360 = arith.muli %scan3A_358, %mul3A_359 : i32
      %add3A_361 = arith.constant 4096 : i32
      %add3A_362 = arith.addi %add3A_361, %mul3A_360 : i32
      %get3A_363 = arith.index_cast %add3A_362 : i32 to index
      %get3A_364 = tpu.vector_load %arg7[%get3A_363] {strides = array<i32>} : memref<16384xi32, #tpu.memory_space<vmem>>, vector<16xi32>,
      %gather3A_365 = tpu.vector_load_idx %arg6[%get3A_364] : memref<100000xf32, #tpu.memory_space<vmem>>[vector<16xi32>], vector<16xf32>,
      %mul3A_366 = arith.constant 16 : i32
      %mul3A_367 = arith.muli %scan3A_358, %mul3A_366 : i32
      %get3A_368 = arith.constant 1 : i32
      %get3A_369 = arith.index_cast %get3A_368 : i32 to index
      %get3A_370 = arith.index_cast %mul3A_367 : i32 to index
      %get3A_371 = tpu.vector_load %arg8[%get3A_369, %get3A_370] {strides = array<i32>} : memref<2x4096xf32, #tpu.memory_space<vmem>>, vector<16xf32>,
      %sub3A_372 = arith.subf %get3A_371, %gather3A_365 : vector<16xf32>
      %mul3A_373 = arith.mulf %sub3A_372, %sub3A_372 : vector<16xf32>
      %add3A_374 = arith.addf %scan3A_320, %mul3A_373 : vector<16xf32>
      %scan3A_375 = arith.constant 3 : i32
      %scan3A_376 = arith.addi %scan3A_317, %scan3A_375 : i32
      %mul3A_377 = arith.constant 16 : i32
      %mul3A_378 = arith.muli %scan3A_376, %mul3A_377 : i32
      %add3A_379 = arith.constant 4096 : i32
      %add3A_380 = arith.addi %add3A_379, %mul3A_378 : i32
      %get3A_381 = arith.index_cast %add3A_380 : i32 to index
      %get3A_382 = tpu.vector_load %arg7[%get3A_381] {strides = array<i32>} : memref<16384xi32, #tpu.memory_space<vmem>>, vector<16xi32>,
      %gather3A_383 = tpu.vector_load_idx %arg6[%get3A_382] : memref<100000xf32, #tpu.memory_space<vmem>>[vector<16xi32>], vector<16xf32>,
      %mul3A_384 = arith.constant 16 : i32
      %mul3A_385 = arith.muli %scan3A_376, %mul3A_384 : i32
      %get3A_386 = arith.constant 1 : i32
      %get3A_387 = arith.index_cast %get3A_386 : i32 to index
      %get3A_388 = arith.index_cast %mul3A_385 : i32 to index
      %get3A_389 = tpu.vector_load %arg8[%get3A_387, %get3A_388] {strides = array<i32>} : memref<2x4096xf32, #tpu.memory_space<vmem>>, vector<16xf32>,
      %sub3A_390 = arith.subf %get3A_389, %gather3A_383 : vector<16xf32>
      %mul3A_391 = arith.mulf %sub3A_390, %sub3A_390 : vector<16xf32>
      %add3A_392 = arith.addf %scan3A_321, %mul3A_391 : vector<16xf32>
      %scan3A_393 = arith.constant 4 : i32
      %scan3A_394 = arith.addi %scan3A_317, %scan3A_393 : i32
      %mul3A_395 = arith.constant 16 : i32
      %mul3A_396 = arith.muli %scan3A_394, %mul3A_395 : i32
      %add3A_397 = arith.constant 4096 : i32
      %add3A_398 = arith.addi %add3A_397, %mul3A_396 : i32
      %get3A_399 = arith.index_cast %add3A_398 : i32 to index
      %get3A_400 = tpu.vector_load %arg7[%get3A_399] {strides = array<i32>} : memref<16384xi32, #tpu.memory_space<vmem>>, vector<16xi32>,
      %gather3A_401 = tpu.vector_load_idx %arg6[%get3A_400] : memref<100000xf32, #tpu.memory_space<vmem>>[vector<16xi32>], vector<16xf32>,
      %mul3A_402 = arith.constant 16 : i32
      %mul3A_403 = arith.muli %scan3A_394, %mul3A_402 : i32
      %get3A_404 = arith.constant 1 : i32
      %get3A_405 = arith.index_cast %get3A_404 : i32 to index
      %get3A_406 = arith.index_cast %mul3A_403 : i32 to index
      %get3A_407 = tpu.vector_load %arg8[%get3A_405, %get3A_406] {strides = array<i32>} : memref<2x4096xf32, #tpu.memory_space<vmem>>, vector<16xf32>,
      %sub3A_408 = arith.subf %get3A_407, %gather3A_401 : vector<16xf32>
      %mul3A_409 = arith.mulf %sub3A_408, %sub3A_408 : vector<16xf32>
      %add3A_410 = arith.addf %scan3A_322, %mul3A_409 : vector<16xf32>
      %scan3A_411 = arith.constant 5 : i32
      %scan3A_412 = arith.addi %scan3A_317, %scan3A_411 : i32
      %mul3A_413 = arith.constant 16 : i32
      %mul3A_414 = arith.muli %scan3A_412, %mul3A_413 : i32
      %add3A_415 = arith.constant 4096 : i32
      %add3A_416 = arith.addi %add3A_415, %mul3A_414 : i32
      %get3A_417 = arith.index_cast %add3A_416 : i32 to index
      %get3A_418 = tpu.vector_load %arg7[%get3A_417] {strides = array<i32>} : memref<16384xi32, #tpu.memory_space<vmem>>, vector<16xi32>,
      %gather3A_419 = tpu.vector_load_idx %arg6[%get3A_418] : memref<100000xf32, #tpu.memory_space<vmem>>[vector<16xi32>], vector<16xf32>,
      %mul3A_420 = arith.constant 16 : i32
      %mul3A_421 = arith.muli %scan3A_412, %mul3A_420 : i32
      %get3A_422 = arith.constant 1 : i32
      %get3A_423 = arith.index_cast %get3A_422 : i32 to index
      %get3A_424 = arith.index_cast %mul3A_421 : i32 to index
      %get3A_425 = tpu.vector_load %arg8[%get3A_423, %get3A_424] {strides = array<i32>} : memref<2x4096xf32, #tpu.memory_space<vmem>>, vector<16xf32>,
      %sub3A_426 = arith.subf %get3A_425, %gather3A_419 : vector<16xf32>
      %mul3A_427 = arith.mulf %sub3A_426, %sub3A_426 : vector<16xf32>
      %add3A_428 = arith.addf %scan3A_323, %mul3A_427 : vector<16xf32>
      %scan3A_429 = arith.constant 6 : i32
      %scan3A_430 = arith.addi %scan3A_317, %scan3A_429 : i32
      %mul3A_431 = arith.constant 16 : i32
      %mul3A_432 = arith.muli %scan3A_430, %mul3A_431 : i32
      %add3A_433 = arith.constant 4096 : i32
      %add3A_434 = arith.addi %add3A_433, %mul3A_432 : i32
      %get3A_435 = arith.index_cast %add3A_434 : i32 to index
      %get3A_436 = tpu.vector_load %arg7[%get3A_435] {strides = array<i32>} : memref<16384xi32, #tpu.memory_space<vmem>>, vector<16xi32>,
      %gather3A_437 = tpu.vector_load_idx %arg6[%get3A_436] : memref<100000xf32, #tpu.memory_space<vmem>>[vector<16xi32>], vector<16xf32>,
      %mul3A_438 = arith.constant 16 : i32
      %mul3A_439 = arith.muli %scan3A_430, %mul3A_438 : i32
      %get3A_440 = arith.constant 1 : i32
      %get3A_441 = arith.index_cast %get3A_440 : i32 to index
      %get3A_442 = arith.index_cast %mul3A_439 : i32 to index
      %get3A_443 = tpu.vector_load %arg8[%get3A_441, %get3A_442] {strides = array<i32>} : memref<2x4096xf32, #tpu.memory_space<vmem>>, vector<16xf32>,
      %sub3A_444 = arith.subf %get3A_443, %gather3A_437 : vector<16xf32>
      %mul3A_445 = arith.mulf %sub3A_444, %sub3A_444 : vector<16xf32>
      %add3A_446 = arith.addf %scan3A_324, %mul3A_445 : vector<16xf32>
      %scan3A_447 = arith.constant 7 : i32
      %scan3A_448 = arith.addi %scan3A_317, %scan3A_447 : i32
      %mul3A_449 = arith.constant 16 : i32
      %mul3A_450 = arith.muli %scan3A_448, %mul3A_449 : i32
      %add3A_451 = arith.constant 4096 : i32
      %add3A_452 = arith.addi %add3A_451, %mul3A_450 : i32
      %get3A_453 = arith.index_cast %add3A_452 : i32 to index
      %get3A_454 = tpu.vector_load %arg7[%get3A_453] {strides = array<i32>} : memref<16384xi32, #tpu.memory_space<vmem>>, vector<16xi32>,
      %gather3A_455 = tpu.vector_load_idx %arg6[%get3A_454] : memref<100000xf32, #tpu.memory_space<vmem>>[vector<16xi32>], vector<16xf32>,
      %mul3A_456 = arith.constant 16 : i32
      %mul3A_457 = arith.muli %scan3A_448, %mul3A_456 : i32
      %get3A_458 = arith.constant 1 : i32
      %get3A_459 = arith.index_cast %get3A_458 : i32 to index
      %get3A_460 = arith.index_cast %mul3A_457 : i32 to index
      %get3A_461 = tpu.vector_load %arg8[%get3A_459, %get3A_460] {strides = array<i32>} : memref<2x4096xf32, #tpu.memory_space<vmem>>, vector<16xf32>,
      %sub3A_462 = arith.subf %get3A_461, %gather3A_455 : vector<16xf32>
      %mul3A_463 = arith.mulf %sub3A_462, %sub3A_462 : vector<16xf32>
      %add3A_464 = arith.addf %scan3A_325, %mul3A_463 : vector<16xf32>
      scf.yield %add3A_338, %add3A_356, %add3A_374, %add3A_392, %add3A_410, %add3A_428, %add3A_446, %add3A_464 : vector<16xf32>, vector<16xf32>, vector<16xf32>, vector<16xf32>, vector<16xf32>, vector<16xf32>, vector<16xf32>, vector<16xf32>
    }
    %scan3A_257 = arith.constant 256 : i32
    %dma_start3A_258 = arith.constant 1 : i32
    %dma_start3A_259 = arith.constant 0 : i32
    %dma_start3A_260 = tpu.memref_slice %arg8[%dma_start3A_258, %dma_start3A_259] : memref<2x4096xf32, #tpu.memory_space<vmem>> -> memref<1x4096xf32, #tpu.memory_space<vmem>>
    %dma_start3A_261 = tpu.memref_squeeze %dma_start3A_260 : memref<1x4096xf32, #tpu.memory_space<vmem>> -> memref<4096xf32, #tpu.memory_space<vmem>>
    %dma_start3A_262 = arith.constant 12288 : i32
    %dma_start3A_263 = tpu.memref_slice %arg3[%add3A_168, %dma_start3A_262] : memref<64x16384xf32, #tpu.memory_space<hbm>> -> memref<1x4096xf32, #tpu.memory_space<hbm>>
    %dma_start3A_264 = tpu.memref_squeeze %dma_start3A_263 : memref<1x4096xf32, #tpu.memory_space<hbm>> -> memref<4096xf32, #tpu.memory_space<hbm>>
    %dma_start3A_265 = arith.constant 0 : i32
    %dma_start3A_266 = tpu.memref_slice %arg8[%dma_start3A_258, %dma_start3A_265] : memref<2x4096xf32, #tpu.memory_space<vmem>> -> memref<1x4096xf32, #tpu.memory_space<vmem>>
    %dma_start3A_267 = tpu.memref_squeeze %dma_start3A_266 : memref<1x4096xf32, #tpu.memory_space<vmem>> -> memref<4096xf32, #tpu.memory_space<vmem>>
    %dma_start3A_268 = arith.constant 12288 : i32
    %dma_start3A_269 = tpu.memref_slice %arg3[%add3A_168, %dma_start3A_268] : memref<64x16384xf32, #tpu.memory_space<hbm>> -> memref<1x4096xf32, #tpu.memory_space<hbm>>
    %dma_start3A_270 = tpu.memref_squeeze %dma_start3A_269 : memref<1x4096xf32, #tpu.memory_space<hbm>> -> memref<4096xf32, #tpu.memory_space<hbm>>
    tpu.enqueue_dma source(%dma_start3A_270 : memref<4096xf32, #tpu.memory_space<hbm>>) target(%dma_start3A_267 : memref<4096xf32, #tpu.memory_space<vmem>>) target_semaphore(%arg11 : memref<!tpu.dma_semaphore, #tpu.memory_space<semaphore_mem>>)
    %dma_wait3A_271 = arith.constant 0 : i32
    %dma_wait3A_272 = arith.constant 0 : i32
    %dma_wait3A_273 = tpu.memref_slice %arg8[%dma_wait3A_271, %dma_wait3A_272] : memref<2x4096xf32, #tpu.memory_space<vmem>> -> memref<1x4096xf32, #tpu.memory_space<vmem>>
    %dma_wait3A_274 = tpu.memref_squeeze %dma_wait3A_273 : memref<1x4096xf32, #tpu.memory_space<vmem>> -> memref<4096xf32, #tpu.memory_space<vmem>>
    %dma_wait3A_275 = arith.constant 8192 : i32
    %dma_wait3A_276 = tpu.memref_slice %arg3[%add3A_168, %dma_wait3A_275] : memref<64x16384xf32, #tpu.memory_space<hbm>> -> memref<1x4096xf32, #tpu.memory_space<hbm>>
    %dma_wait3A_277 = tpu.memref_squeeze %dma_wait3A_276 : memref<1x4096xf32, #tpu.memory_space<hbm>> -> memref<4096xf32, #tpu.memory_space<hbm>>
    %dma_wait3A_278 = arith.constant 0 : i32
    %dma_wait3A_279 = tpu.memref_slice %arg8[%dma_wait3A_271, %dma_wait3A_278] : memref<2x4096xf32, #tpu.memory_space<vmem>> -> memref<1x4096xf32, #tpu.memory_space<vmem>>
    %dma_wait3A_280 = tpu.memref_squeeze %dma_wait3A_279 : memref<1x4096xf32, #tpu.memory_space<vmem>> -> memref<4096xf32, #tpu.memory_space<vmem>>
    %dma_wait3A_281 = arith.constant 8192 : i32
    %dma_wait3A_282 = tpu.memref_slice %arg3[%add3A_168, %dma_wait3A_281] : memref<64x16384xf32, #tpu.memory_space<hbm>> -> memref<1x4096xf32, #tpu.memory_space<hbm>>
    %dma_wait3A_283 = tpu.memref_squeeze %dma_wait3A_282 : memref<1x4096xf32, #tpu.memory_space<hbm>> -> memref<4096xf32, #tpu.memory_space<hbm>>
    tpu.wait_dma2 semaphore(%arg11 : memref<!tpu.dma_semaphore, #tpu.memory_space<semaphore_mem>>) src(%dma_wait3A_283 : memref<4096xf32, #tpu.memory_space<hbm>>) dst(%dma_wait3A_280 : memref<4096xf32, #tpu.memory_space<vmem>>)
    %scan3A_284 = arith.constant 0 : i32
    %scan3A_285 = arith.constant 256 : i32
    %scan3A_286 = arith.addi %scan3A_284, %scan3A_285 : i32
    %scan3A_287 = arith.constant 8 : i32
    %scan3A_288:8 = scf.for %scan3A_317 = %scan3A_284 to %scan3A_286 step %scan3A_287 iter_args(%scan3A_318 = %scan3A_256#0, %scan3A_319 = %scan3A_256#1, %scan3A_320 = %scan3A_256#2, %scan3A_321 = %scan3A_256#3, %scan3A_322 = %scan3A_256#4, %scan3A_323 = %scan3A_256#5, %scan3A_324 = %scan3A_256#6, %scan3A_325 = %scan3A_256#7) -> (vector<16xf32>, vector<16xf32>, vector<16xf32>, vector<16xf32>, vector<16xf32>, vector<16xf32>, vector<16xf32>, vector<16xf32>)  : i32 {
      %mul3A_326 = arith.constant 16 : i32
      %mul3A_327 = arith.muli %scan3A_317, %mul3A_326 : i32
      %add3A_328 = arith.constant 8192 : i32
      %add3A_329 = arith.addi %add3A_328, %mul3A_327 : i32
      %get3A = arith.index_cast %add3A_329 : i32 to index
      %get3A_330 = tpu.vector_load %arg7[%get3A] {strides = array<i32>} : memref<16384xi32, #tpu.memory_space<vmem>>, vector<16xi32>,
      %gather3A = tpu.vector_load_idx %arg6[%get3A_330] : memref<100000xf32, #tpu.memory_space<vmem>>[vector<16xi32>], vector<16xf32>,
      %mul3A_331 = arith.constant 16 : i32
      %mul3A_332 = arith.muli %scan3A_317, %mul3A_331 : i32
      %get3A_333 = arith.constant 0 : i32
      %get3A_334 = arith.index_cast %get3A_333 : i32 to index
      %get3A_335 = arith.index_cast %mul3A_332 : i32 to index
      %get3A_336 = tpu.vector_load %arg8[%get3A_334, %get3A_335] {strides = array<i32>} : memref<2x4096xf32, #tpu.memory_space<vmem>>, vector<16xf32>,
      %sub3A = arith.subf %get3A_336, %gather3A : vector<16xf32>
      %mul3A_337 = arith.mulf %sub3A, %sub3A : vector<16xf32>
      %add3A_338 = arith.addf %scan3A_318, %mul3A_337 : vector<16xf32>
      %scan3A_339 = arith.constant 1 : i32
      %scan3A_340 = arith.addi %scan3A_317, %scan3A_339 : i32
      %mul3A_341 = arith.constant 16 : i32
      %mul3A_342 = arith.muli %scan3A_340, %mul3A_341 : i32
      %add3A_343 = arith.constant 8192 : i32
      %add3A_344 = arith.addi %add3A_343, %mul3A_342 : i32
      %get3A_345 = arith.index_cast %add3A_344 : i32 to index
      %get3A_346 = tpu.vector_load %arg7[%get3A_345] {strides = array<i32>} : memref<16384xi32, #tpu.memory_space<vmem>>, vector<16xi32>,
      %gather3A_347 = tpu.vector_load_idx %arg6[%get3A_346] : memref<100000xf32, #tpu.memory_space<vmem>>[vector<16xi32>], vector<16xf32>,
      %mul3A_348 = arith.constant 16 : i32
      %mul3A_349 = arith.muli %scan3A_340, %mul3A_348 : i32
      %get3A_350 = arith.constant 0 : i32
      %get3A_351 = arith.index_cast %get3A_350 : i32 to index
      %get3A_352 = arith.index_cast %mul3A_349 : i32 to index
      %get3A_353 = tpu.vector_load %arg8[%get3A_351, %get3A_352] {strides = array<i32>} : memref<2x4096xf32, #tpu.memory_space<vmem>>, vector<16xf32>,
      %sub3A_354 = arith.subf %get3A_353, %gather3A_347 : vector<16xf32>
      %mul3A_355 = arith.mulf %sub3A_354, %sub3A_354 : vector<16xf32>
      %add3A_356 = arith.addf %scan3A_319, %mul3A_355 : vector<16xf32>
      %scan3A_357 = arith.constant 2 : i32
      %scan3A_358 = arith.addi %scan3A_317, %scan3A_357 : i32
      %mul3A_359 = arith.constant 16 : i32
      %mul3A_360 = arith.muli %scan3A_358, %mul3A_359 : i32
      %add3A_361 = arith.constant 8192 : i32
      %add3A_362 = arith.addi %add3A_361, %mul3A_360 : i32
      %get3A_363 = arith.index_cast %add3A_362 : i32 to index
      %get3A_364 = tpu.vector_load %arg7[%get3A_363] {strides = array<i32>} : memref<16384xi32, #tpu.memory_space<vmem>>, vector<16xi32>,
      %gather3A_365 = tpu.vector_load_idx %arg6[%get3A_364] : memref<100000xf32, #tpu.memory_space<vmem>>[vector<16xi32>], vector<16xf32>,
      %mul3A_366 = arith.constant 16 : i32
      %mul3A_367 = arith.muli %scan3A_358, %mul3A_366 : i32
      %get3A_368 = arith.constant 0 : i32
      %get3A_369 = arith.index_cast %get3A_368 : i32 to index
      %get3A_370 = arith.index_cast %mul3A_367 : i32 to index
      %get3A_371 = tpu.vector_load %arg8[%get3A_369, %get3A_370] {strides = array<i32>} : memref<2x4096xf32, #tpu.memory_space<vmem>>, vector<16xf32>,
      %sub3A_372 = arith.subf %get3A_371, %gather3A_365 : vector<16xf32>
      %mul3A_373 = arith.mulf %sub3A_372, %sub3A_372 : vector<16xf32>
      %add3A_374 = arith.addf %scan3A_320, %mul3A_373 : vector<16xf32>
      %scan3A_375 = arith.constant 3 : i32
      %scan3A_376 = arith.addi %scan3A_317, %scan3A_375 : i32
      %mul3A_377 = arith.constant 16 : i32
      %mul3A_378 = arith.muli %scan3A_376, %mul3A_377 : i32
      %add3A_379 = arith.constant 8192 : i32
      %add3A_380 = arith.addi %add3A_379, %mul3A_378 : i32
      %get3A_381 = arith.index_cast %add3A_380 : i32 to index
      %get3A_382 = tpu.vector_load %arg7[%get3A_381] {strides = array<i32>} : memref<16384xi32, #tpu.memory_space<vmem>>, vector<16xi32>,
      %gather3A_383 = tpu.vector_load_idx %arg6[%get3A_382] : memref<100000xf32, #tpu.memory_space<vmem>>[vector<16xi32>], vector<16xf32>,
      %mul3A_384 = arith.constant 16 : i32
      %mul3A_385 = arith.muli %scan3A_376, %mul3A_384 : i32
      %get3A_386 = arith.constant 0 : i32
      %get3A_387 = arith.index_cast %get3A_386 : i32 to index
      %get3A_388 = arith.index_cast %mul3A_385 : i32 to index
      %get3A_389 = tpu.vector_load %arg8[%get3A_387, %get3A_388] {strides = array<i32>} : memref<2x4096xf32, #tpu.memory_space<vmem>>, vector<16xf32>,
      %sub3A_390 = arith.subf %get3A_389, %gather3A_383 : vector<16xf32>
      %mul3A_391 = arith.mulf %sub3A_390, %sub3A_390 : vector<16xf32>
      %add3A_392 = arith.addf %scan3A_321, %mul3A_391 : vector<16xf32>
      %scan3A_393 = arith.constant 4 : i32
      %scan3A_394 = arith.addi %scan3A_317, %scan3A_393 : i32
      %mul3A_395 = arith.constant 16 : i32
      %mul3A_396 = arith.muli %scan3A_394, %mul3A_395 : i32
      %add3A_397 = arith.constant 8192 : i32
      %add3A_398 = arith.addi %add3A_397, %mul3A_396 : i32
      %get3A_399 = arith.index_cast %add3A_398 : i32 to index
      %get3A_400 = tpu.vector_load %arg7[%get3A_399] {strides = array<i32>} : memref<16384xi32, #tpu.memory_space<vmem>>, vector<16xi32>,
      %gather3A_401 = tpu.vector_load_idx %arg6[%get3A_400] : memref<100000xf32, #tpu.memory_space<vmem>>[vector<16xi32>], vector<16xf32>,
      %mul3A_402 = arith.constant 16 : i32
      %mul3A_403 = arith.muli %scan3A_394, %mul3A_402 : i32
      %get3A_404 = arith.constant 0 : i32
      %get3A_405 = arith.index_cast %get3A_404 : i32 to index
      %get3A_406 = arith.index_cast %mul3A_403 : i32 to index
      %get3A_407 = tpu.vector_load %arg8[%get3A_405, %get3A_406] {strides = array<i32>} : memref<2x4096xf32, #tpu.memory_space<vmem>>, vector<16xf32>,
      %sub3A_408 = arith.subf %get3A_407, %gather3A_401 : vector<16xf32>
      %mul3A_409 = arith.mulf %sub3A_408, %sub3A_408 : vector<16xf32>
      %add3A_410 = arith.addf %scan3A_322, %mul3A_409 : vector<16xf32>
      %scan3A_411 = arith.constant 5 : i32
      %scan3A_412 = arith.addi %scan3A_317, %scan3A_411 : i32
      %mul3A_413 = arith.constant 16 : i32
      %mul3A_414 = arith.muli %scan3A_412, %mul3A_413 : i32
      %add3A_415 = arith.constant 8192 : i32
      %add3A_416 = arith.addi %add3A_415, %mul3A_414 : i32
      %get3A_417 = arith.index_cast %add3A_416 : i32 to index
      %get3A_418 = tpu.vector_load %arg7[%get3A_417] {strides = array<i32>} : memref<16384xi32, #tpu.memory_space<vmem>>, vector<16xi32>,
      %gather3A_419 = tpu.vector_load_idx %arg6[%get3A_418] : memref<100000xf32, #tpu.memory_space<vmem>>[vector<16xi32>], vector<16xf32>,
      %mul3A_420 = arith.constant 16 : i32
      %mul3A_421 = arith.muli %scan3A_412, %mul3A_420 : i32
      %get3A_422 = arith.constant 0 : i32
      %get3A_423 = arith.index_cast %get3A_422 : i32 to index
      %get3A_424 = arith.index_cast %mul3A_421 : i32 to index
      %get3A_425 = tpu.vector_load %arg8[%get3A_423, %get3A_424] {strides = array<i32>} : memref<2x4096xf32, #tpu.memory_space<vmem>>, vector<16xf32>,
      %sub3A_426 = arith.subf %get3A_425, %gather3A_419 : vector<16xf32>
      %mul3A_427 = arith.mulf %sub3A_426, %sub3A_426 : vector<16xf32>
      %add3A_428 = arith.addf %scan3A_323, %mul3A_427 : vector<16xf32>
      %scan3A_429 = arith.constant 6 : i32
      %scan3A_430 = arith.addi %scan3A_317, %scan3A_429 : i32
      %mul3A_431 = arith.constant 16 : i32
      %mul3A_432 = arith.muli %scan3A_430, %mul3A_431 : i32
      %add3A_433 = arith.constant 8192 : i32
      %add3A_434 = arith.addi %add3A_433, %mul3A_432 : i32
      %get3A_435 = arith.index_cast %add3A_434 : i32 to index
      %get3A_436 = tpu.vector_load %arg7[%get3A_435] {strides = array<i32>} : memref<16384xi32, #tpu.memory_space<vmem>>, vector<16xi32>,
      %gather3A_437 = tpu.vector_load_idx %arg6[%get3A_436] : memref<100000xf32, #tpu.memory_space<vmem>>[vector<16xi32>], vector<16xf32>,
      %mul3A_438 = arith.constant 16 : i32
      %mul3A_439 = arith.muli %scan3A_430, %mul3A_438 : i32
      %get3A_440 = arith.constant 0 : i32
      %get3A_441 = arith.index_cast %get3A_440 : i32 to index
      %get3A_442 = arith.index_cast %mul3A_439 : i32 to index
      %get3A_443 = tpu.vector_load %arg8[%get3A_441, %get3A_442] {strides = array<i32>} : memref<2x4096xf32, #tpu.memory_space<vmem>>, vector<16xf32>,
      %sub3A_444 = arith.subf %get3A_443, %gather3A_437 : vector<16xf32>
      %mul3A_445 = arith.mulf %sub3A_444, %sub3A_444 : vector<16xf32>
      %add3A_446 = arith.addf %scan3A_324, %mul3A_445 : vector<16xf32>
      %scan3A_447 = arith.constant 7 : i32
      %scan3A_448 = arith.addi %scan3A_317, %scan3A_447 : i32
      %mul3A_449 = arith.constant 16 : i32
      %mul3A_450 = arith.muli %scan3A_448, %mul3A_449 : i32
      %add3A_451 = arith.constant 8192 : i32
      %add3A_452 = arith.addi %add3A_451, %mul3A_450 : i32
      %get3A_453 = arith.index_cast %add3A_452 : i32 to index
      %get3A_454 = tpu.vector_load %arg7[%get3A_453] {strides = array<i32>} : memref<16384xi32, #tpu.memory_space<vmem>>, vector<16xi32>,
      %gather3A_455 = tpu.vector_load_idx %arg6[%get3A_454] : memref<100000xf32, #tpu.memory_space<vmem>>[vector<16xi32>], vector<16xf32>,
      %mul3A_456 = arith.constant 16 : i32
      %mul3A_457 = arith.muli %scan3A_448, %mul3A_456 : i32
      %get3A_458 = arith.constant 0 : i32
      %get3A_459 = arith.index_cast %get3A_458 : i32 to index
      %get3A_460 = arith.index_cast %mul3A_457 : i32 to index
      %get3A_461 = tpu.vector_load %arg8[%get3A_459, %get3A_460] {strides = array<i32>} : memref<2x4096xf32, #tpu.memory_space<vmem>>, vector<16xf32>,
      %sub3A_462 = arith.subf %get3A_461, %gather3A_455 : vector<16xf32>
      %mul3A_463 = arith.mulf %sub3A_462, %sub3A_462 : vector<16xf32>
      %add3A_464 = arith.addf %scan3A_325, %mul3A_463 : vector<16xf32>
      scf.yield %add3A_338, %add3A_356, %add3A_374, %add3A_392, %add3A_410, %add3A_428, %add3A_446, %add3A_464 : vector<16xf32>, vector<16xf32>, vector<16xf32>, vector<16xf32>, vector<16xf32>, vector<16xf32>, vector<16xf32>, vector<16xf32>
    }
    %scan3A_289 = arith.constant 256 : i32
    %dma_wait3A_290 = arith.constant 1 : i32
    %dma_wait3A_291 = arith.constant 0 : i32
    %dma_wait3A_292 = tpu.memref_slice %arg8[%dma_wait3A_290, %dma_wait3A_291] : memref<2x4096xf32, #tpu.memory_space<vmem>> -> memref<1x4096xf32, #tpu.memory_space<vmem>>
    %dma_wait3A_293 = tpu.memref_squeeze %dma_wait3A_292 : memref<1x4096xf32, #tpu.memory_space<vmem>> -> memref<4096xf32, #tpu.memory_space<vmem>>
    %dma_wait3A_294 = arith.constant 12288 : i32
    %dma_wait3A_295 = tpu.memref_slice %arg3[%add3A_168, %dma_wait3A_294] : memref<64x16384xf32, #tpu.memory_space<hbm>> -> memref<1x4096xf32, #tpu.memory_space<hbm>>
    %dma_wait3A_296 = tpu.memref_squeeze %dma_wait3A_295 : memref<1x4096xf32, #tpu.memory_space<hbm>> -> memref<4096xf32, #tpu.memory_space<hbm>>
    %dma_wait3A_297 = arith.constant 0 : i32
    %dma_wait3A_298 = tpu.memref_slice %arg8[%dma_wait3A_290, %dma_wait3A_297] : memref<2x4096xf32, #tpu.memory_space<vmem>> -> memref<1x4096xf32, #tpu.memory_space<vmem>>
    %dma_wait3A_299 = tpu.memref_squeeze %dma_wait3A_298 : memref<1x4096xf32, #tpu.memory_space<vmem>> -> memref<4096xf32, #tpu.memory_space<vmem>>
    %dma_wait3A_300 = arith.constant 12288 : i32
    %dma_wait3A_301 = tpu.memref_slice %arg3[%add3A_168, %dma_wait3A_300] : memref<64x16384xf32, #tpu.memory_space<hbm>> -> memref<1x4096xf32, #tpu.memory_space<hbm>>
    %dma_wait3A_302 = tpu.memref_squeeze %dma_wait3A_301 : memref<1x4096xf32, #tpu.memory_space<hbm>> -> memref<4096xf32, #tpu.memory_space<hbm>>
    tpu.wait_dma2 semaphore(%arg11 : memref<!tpu.dma_semaphore, #tpu.memory_space<semaphore_mem>>) src(%dma_wait3A_302 : memref<4096xf32, #tpu.memory_space<hbm>>) dst(%dma_wait3A_299 : memref<4096xf32, #tpu.memory_space<vmem>>)
    %scan3A_303 = arith.constant 0 : i32
    %scan3A_304 = arith.constant 256 : i32
    %scan3A_305 = arith.addi %scan3A_303, %scan3A_304 : i32
    %scan3A_306 = arith.constant 8 : i32
    %scan3A_307:8 = scf.for %scan3A_317 = %scan3A_303 to %scan3A_305 step %scan3A_306 iter_args(%scan3A_318 = %scan3A_288#0, %scan3A_319 = %scan3A_288#1, %scan3A_320 = %scan3A_288#2, %scan3A_321 = %scan3A_288#3, %scan3A_322 = %scan3A_288#4, %scan3A_323 = %scan3A_288#5, %scan3A_324 = %scan3A_288#6, %scan3A_325 = %scan3A_288#7) -> (vector<16xf32>, vector<16xf32>, vector<16xf32>, vector<16xf32>, vector<16xf32>, vector<16xf32>, vector<16xf32>, vector<16xf32>)  : i32 {
      %mul3A_326 = arith.constant 16 : i32
      %mul3A_327 = arith.muli %scan3A_317, %mul3A_326 : i32
      %add3A_328 = arith.constant 12288 : i32
      %add3A_329 = arith.addi %add3A_328, %mul3A_327 : i32
      %get3A = arith.index_cast %add3A_329 : i32 to index
      %get3A_330 = tpu.vector_load %arg7[%get3A] {strides = array<i32>} : memref<16384xi32, #tpu.memory_space<vmem>>, vector<16xi32>,
      %gather3A = tpu.vector_load_idx %arg6[%get3A_330] : memref<100000xf32, #tpu.memory_space<vmem>>[vector<16xi32>], vector<16xf32>,
      %mul3A_331 = arith.constant 16 : i32
      %mul3A_332 = arith.muli %scan3A_317, %mul3A_331 : i32
      %get3A_333 = arith.constant 1 : i32
      %get3A_334 = arith.index_cast %get3A_333 : i32 to index
      %get3A_335 = arith.index_cast %mul3A_332 : i32 to index
      %get3A_336 = tpu.vector_load %arg8[%get3A_334, %get3A_335] {strides = array<i32>} : memref<2x4096xf32, #tpu.memory_space<vmem>>, vector<16xf32>,
      %sub3A = arith.subf %get3A_336, %gather3A : vector<16xf32>
      %mul3A_337 = arith.mulf %sub3A, %sub3A : vector<16xf32>
      %add3A_338 = arith.addf %scan3A_318, %mul3A_337 : vector<16xf32>
      %scan3A_339 = arith.constant 1 : i32
      %scan3A_340 = arith.addi %scan3A_317, %scan3A_339 : i32
      %mul3A_341 = arith.constant 16 : i32
      %mul3A_342 = arith.muli %scan3A_340, %mul3A_341 : i32
      %add3A_343 = arith.constant 12288 : i32
      %add3A_344 = arith.addi %add3A_343, %mul3A_342 : i32
      %get3A_345 = arith.index_cast %add3A_344 : i32 to index
      %get3A_346 = tpu.vector_load %arg7[%get3A_345] {strides = array<i32>} : memref<16384xi32, #tpu.memory_space<vmem>>, vector<16xi32>,
      %gather3A_347 = tpu.vector_load_idx %arg6[%get3A_346] : memref<100000xf32, #tpu.memory_space<vmem>>[vector<16xi32>], vector<16xf32>,
      %mul3A_348 = arith.constant 16 : i32
      %mul3A_349 = arith.muli %scan3A_340, %mul3A_348 : i32
      %get3A_350 = arith.constant 1 : i32
      %get3A_351 = arith.index_cast %get3A_350 : i32 to index
      %get3A_352 = arith.index_cast %mul3A_349 : i32 to index
      %get3A_353 = tpu.vector_load %arg8[%get3A_351, %get3A_352] {strides = array<i32>} : memref<2x4096xf32, #tpu.memory_space<vmem>>, vector<16xf32>,
      %sub3A_354 = arith.subf %get3A_353, %gather3A_347 : vector<16xf32>
      %mul3A_355 = arith.mulf %sub3A_354, %sub3A_354 : vector<16xf32>
      %add3A_356 = arith.addf %scan3A_319, %mul3A_355 : vector<16xf32>
      %scan3A_357 = arith.constant 2 : i32
      %scan3A_358 = arith.addi %scan3A_317, %scan3A_357 : i32
      %mul3A_359 = arith.constant 16 : i32
      %mul3A_360 = arith.muli %scan3A_358, %mul3A_359 : i32
      %add3A_361 = arith.constant 12288 : i32
      %add3A_362 = arith.addi %add3A_361, %mul3A_360 : i32
      %get3A_363 = arith.index_cast %add3A_362 : i32 to index
      %get3A_364 = tpu.vector_load %arg7[%get3A_363] {strides = array<i32>} : memref<16384xi32, #tpu.memory_space<vmem>>, vector<16xi32>,
      %gather3A_365 = tpu.vector_load_idx %arg6[%get3A_364] : memref<100000xf32, #tpu.memory_space<vmem>>[vector<16xi32>], vector<16xf32>,
      %mul3A_366 = arith.constant 16 : i32
      %mul3A_367 = arith.muli %scan3A_358, %mul3A_366 : i32
      %get3A_368 = arith.constant 1 : i32
      %get3A_369 = arith.index_cast %get3A_368 : i32 to index
      %get3A_370 = arith.index_cast %mul3A_367 : i32 to index
      %get3A_371 = tpu.vector_load %arg8[%get3A_369, %get3A_370] {strides = array<i32>} : memref<2x4096xf32, #tpu.memory_space<vmem>>, vector<16xf32>,
      %sub3A_372 = arith.subf %get3A_371, %gather3A_365 : vector<16xf32>
      %mul3A_373 = arith.mulf %sub3A_372, %sub3A_372 : vector<16xf32>
      %add3A_374 = arith.addf %scan3A_320, %mul3A_373 : vector<16xf32>
      %scan3A_375 = arith.constant 3 : i32
      %scan3A_376 = arith.addi %scan3A_317, %scan3A_375 : i32
      %mul3A_377 = arith.constant 16 : i32
      %mul3A_378 = arith.muli %scan3A_376, %mul3A_377 : i32
      %add3A_379 = arith.constant 12288 : i32
      %add3A_380 = arith.addi %add3A_379, %mul3A_378 : i32
      %get3A_381 = arith.index_cast %add3A_380 : i32 to index
      %get3A_382 = tpu.vector_load %arg7[%get3A_381] {strides = array<i32>} : memref<16384xi32, #tpu.memory_space<vmem>>, vector<16xi32>,
      %gather3A_383 = tpu.vector_load_idx %arg6[%get3A_382] : memref<100000xf32, #tpu.memory_space<vmem>>[vector<16xi32>], vector<16xf32>,
      %mul3A_384 = arith.constant 16 : i32
      %mul3A_385 = arith.muli %scan3A_376, %mul3A_384 : i32
      %get3A_386 = arith.constant 1 : i32
      %get3A_387 = arith.index_cast %get3A_386 : i32 to index
      %get3A_388 = arith.index_cast %mul3A_385 : i32 to index
      %get3A_389 = tpu.vector_load %arg8[%get3A_387, %get3A_388] {strides = array<i32>} : memref<2x4096xf32, #tpu.memory_space<vmem>>, vector<16xf32>,
      %sub3A_390 = arith.subf %get3A_389, %gather3A_383 : vector<16xf32>
      %mul3A_391 = arith.mulf %sub3A_390, %sub3A_390 : vector<16xf32>
      %add3A_392 = arith.addf %scan3A_321, %mul3A_391 : vector<16xf32>
      %scan3A_393 = arith.constant 4 : i32
      %scan3A_394 = arith.addi %scan3A_317, %scan3A_393 : i32
      %mul3A_395 = arith.constant 16 : i32
      %mul3A_396 = arith.muli %scan3A_394, %mul3A_395 : i32
      %add3A_397 = arith.constant 12288 : i32
      %add3A_398 = arith.addi %add3A_397, %mul3A_396 : i32
      %get3A_399 = arith.index_cast %add3A_398 : i32 to index
      %get3A_400 = tpu.vector_load %arg7[%get3A_399] {strides = array<i32>} : memref<16384xi32, #tpu.memory_space<vmem>>, vector<16xi32>,
      %gather3A_401 = tpu.vector_load_idx %arg6[%get3A_400] : memref<100000xf32, #tpu.memory_space<vmem>>[vector<16xi32>], vector<16xf32>,
      %mul3A_402 = arith.constant 16 : i32
      %mul3A_403 = arith.muli %scan3A_394, %mul3A_402 : i32
      %get3A_404 = arith.constant 1 : i32
      %get3A_405 = arith.index_cast %get3A_404 : i32 to index
      %get3A_406 = arith.index_cast %mul3A_403 : i32 to index
      %get3A_407 = tpu.vector_load %arg8[%get3A_405, %get3A_406] {strides = array<i32>} : memref<2x4096xf32, #tpu.memory_space<vmem>>, vector<16xf32>,
      %sub3A_408 = arith.subf %get3A_407, %gather3A_401 : vector<16xf32>
      %mul3A_409 = arith.mulf %sub3A_408, %sub3A_408 : vector<16xf32>
      %add3A_410 = arith.addf %scan3A_322, %mul3A_409 : vector<16xf32>
      %scan3A_411 = arith.constant 5 : i32
      %scan3A_412 = arith.addi %scan3A_317, %scan3A_411 : i32
      %mul3A_413 = arith.constant 16 : i32
      %mul3A_414 = arith.muli %scan3A_412, %mul3A_413 : i32
      %add3A_415 = arith.constant 12288 : i32
      %add3A_416 = arith.addi %add3A_415, %mul3A_414 : i32
      %get3A_417 = arith.index_cast %add3A_416 : i32 to index
      %get3A_418 = tpu.vector_load %arg7[%get3A_417] {strides = array<i32>} : memref<16384xi32, #tpu.memory_space<vmem>>, vector<16xi32>,
      %gather3A_419 = tpu.vector_load_idx %arg6[%get3A_418] : memref<100000xf32, #tpu.memory_space<vmem>>[vector<16xi32>], vector<16xf32>,
      %mul3A_420 = arith.constant 16 : i32
      %mul3A_421 = arith.muli %scan3A_412, %mul3A_420 : i32
      %get3A_422 = arith.constant 1 : i32
      %get3A_423 = arith.index_cast %get3A_422 : i32 to index
      %get3A_424 = arith.index_cast %mul3A_421 : i32 to index
      %get3A_425 = tpu.vector_load %arg8[%get3A_423, %get3A_424] {strides = array<i32>} : memref<2x4096xf32, #tpu.memory_space<vmem>>, vector<16xf32>,
      %sub3A_426 = arith.subf %get3A_425, %gather3A_419 : vector<16xf32>
      %mul3A_427 = arith.mulf %sub3A_426, %sub3A_426 : vector<16xf32>
      %add3A_428 = arith.addf %scan3A_323, %mul3A_427 : vector<16xf32>
      %scan3A_429 = arith.constant 6 : i32
      %scan3A_430 = arith.addi %scan3A_317, %scan3A_429 : i32
      %mul3A_431 = arith.constant 16 : i32
      %mul3A_432 = arith.muli %scan3A_430, %mul3A_431 : i32
      %add3A_433 = arith.constant 12288 : i32
      %add3A_434 = arith.addi %add3A_433, %mul3A_432 : i32
      %get3A_435 = arith.index_cast %add3A_434 : i32 to index
      %get3A_436 = tpu.vector_load %arg7[%get3A_435] {strides = array<i32>} : memref<16384xi32, #tpu.memory_space<vmem>>, vector<16xi32>,
      %gather3A_437 = tpu.vector_load_idx %arg6[%get3A_436] : memref<100000xf32, #tpu.memory_space<vmem>>[vector<16xi32>], vector<16xf32>,
      %mul3A_438 = arith.constant 16 : i32
      %mul3A_439 = arith.muli %scan3A_430, %mul3A_438 : i32
      %get3A_440 = arith.constant 1 : i32
      %get3A_441 = arith.index_cast %get3A_440 : i32 to index
      %get3A_442 = arith.index_cast %mul3A_439 : i32 to index
      %get3A_443 = tpu.vector_load %arg8[%get3A_441, %get3A_442] {strides = array<i32>} : memref<2x4096xf32, #tpu.memory_space<vmem>>, vector<16xf32>,
      %sub3A_444 = arith.subf %get3A_443, %gather3A_437 : vector<16xf32>
      %mul3A_445 = arith.mulf %sub3A_444, %sub3A_444 : vector<16xf32>
      %add3A_446 = arith.addf %scan3A_324, %mul3A_445 : vector<16xf32>
      %scan3A_447 = arith.constant 7 : i32
      %scan3A_448 = arith.addi %scan3A_317, %scan3A_447 : i32
      %mul3A_449 = arith.constant 16 : i32
      %mul3A_450 = arith.muli %scan3A_448, %mul3A_449 : i32
      %add3A_451 = arith.constant 12288 : i32
      %add3A_452 = arith.addi %add3A_451, %mul3A_450 : i32
      %get3A_453 = arith.index_cast %add3A_452 : i32 to index
      %get3A_454 = tpu.vector_load %arg7[%get3A_453] {strides = array<i32>} : memref<16384xi32, #tpu.memory_space<vmem>>, vector<16xi32>,
      %gather3A_455 = tpu.vector_load_idx %arg6[%get3A_454] : memref<100000xf32, #tpu.memory_space<vmem>>[vector<16xi32>], vector<16xf32>,
      %mul3A_456 = arith.constant 16 : i32
      %mul3A_457 = arith.muli %scan3A_448, %mul3A_456 : i32
      %get3A_458 = arith.constant 1 : i32
      %get3A_459 = arith.index_cast %get3A_458 : i32 to index
      %get3A_460 = arith.index_cast %mul3A_457 : i32 to index
      %get3A_461 = tpu.vector_load %arg8[%get3A_459, %get3A_460] {strides = array<i32>} : memref<2x4096xf32, #tpu.memory_space<vmem>>, vector<16xf32>,
      %sub3A_462 = arith.subf %get3A_461, %gather3A_455 : vector<16xf32>
      %mul3A_463 = arith.mulf %sub3A_462, %sub3A_462 : vector<16xf32>
      %add3A_464 = arith.addf %scan3A_325, %mul3A_463 : vector<16xf32>
      scf.yield %add3A_338, %add3A_356, %add3A_374, %add3A_392, %add3A_410, %add3A_428, %add3A_446, %add3A_464 : vector<16xf32>, vector<16xf32>, vector<16xf32>, vector<16xf32>, vector<16xf32>, vector<16xf32>, vector<16xf32>, vector<16xf32>
    }
    %scan3A_308 = arith.constant 256 : i32
    %add3A_309 = arith.addf %scan3A_307#0, %scan3A_307#1 : vector<16xf32>
    %add3A_310 = arith.addf %add3A_309, %scan3A_307#2 : vector<16xf32>
    %add3A_311 = arith.addf %add3A_310, %scan3A_307#3 : vector<16xf32>
    %add3A_312 = arith.addf %add3A_311, %scan3A_307#4 : vector<16xf32>
    %add3A_313 = arith.addf %add3A_312, %scan3A_307#5 : vector<16xf32>
    %add3A_314 = arith.addf %add3A_313, %scan3A_307#6 : vector<16xf32>
    %add3A_315 = arith.addf %add3A_314, %scan3A_307#7 : vector<16xf32>
    %swap3A = arith.constant 0 : index
    %swap3A_316 = tpu.vector_load %arg9[%swap3A] {strides = array<i32>} : memref<16xf32, #tpu.memory_space<vmem>>, vector<16xf32>,
    tpu.vector_store %arg9[%swap3A], %add3A_315 {strides = array<i32>} : memref<16xf32, #tpu.memory_space<vmem>>, vector<16xf32>,
    "tpu.region"() ({
      %run_scoped3A = tpu.sem_alloc : memref<!tpu.dma_semaphore, #tpu.memory_space<semaphore_mem>>
      %dma_start3A_317 = arith.constant 0 : i32
      %dma_start3A_318 = tpu.memref_slice %arg5[%add3A, %dma_start3A_317] : memref<32x16xf32, #tpu.memory_space<hbm>> -> memref<1x16xf32, #tpu.memory_space<hbm>>
      %dma_start3A_319 = tpu.memref_squeeze %dma_start3A_318 : memref<1x16xf32, #tpu.memory_space<hbm>> -> memref<16xf32, #tpu.memory_space<hbm>>
      %dma_start3A_320 = arith.constant 0 : i32
      %dma_start3A_321 = tpu.memref_slice %arg5[%add3A, %dma_start3A_320] : memref<32x16xf32, #tpu.memory_space<hbm>> -> memref<1x16xf32, #tpu.memory_space<hbm>>
      %dma_start3A_322 = tpu.memref_squeeze %dma_start3A_321 : memref<1x16xf32, #tpu.memory_space<hbm>> -> memref<16xf32, #tpu.memory_space<hbm>>
      tpu.enqueue_dma source(%arg9 : memref<16xf32, #tpu.memory_space<vmem>>) target(%dma_start3A_322 : memref<16xf32, #tpu.memory_space<hbm>>) target_semaphore(%run_scoped3A : memref<!tpu.dma_semaphore, #tpu.memory_space<semaphore_mem>>)
      %dma_wait3A_323 = arith.constant 0 : i32
      %dma_wait3A_324 = tpu.memref_slice %arg5[%add3A, %dma_wait3A_323] : memref<32x16xf32, #tpu.memory_space<hbm>> -> memref<1x16xf32, #tpu.memory_space<hbm>>
      %dma_wait3A_325 = tpu.memref_squeeze %dma_wait3A_324 : memref<1x16xf32, #tpu.memory_space<hbm>> -> memref<16xf32, #tpu.memory_space<hbm>>
      %dma_wait3A_326 = arith.constant 0 : i32
      %dma_wait3A_327 = tpu.memref_slice %arg5[%add3A, %dma_wait3A_326] : memref<32x16xf32, #tpu.memory_space<hbm>> -> memref<1x16xf32, #tpu.memory_space<hbm>>
      %dma_wait3A_328 = tpu.memref_squeeze %dma_wait3A_327 : memref<1x16xf32, #tpu.memory_space<hbm>> -> memref<16xf32, #tpu.memory_space<hbm>>
      tpu.wait_dma2 semaphore(%run_scoped3A : memref<!tpu.dma_semaphore, #tpu.memory_space<semaphore_mem>>) src(%arg9 : memref<16xf32, #tpu.memory_space<vmem>>) dst(%dma_wait3A_328 : memref<16xf32, #tpu.memory_space<hbm>>)
      tpu.yield
    }) : () -> ()
    return
  }
}

</mosaic_0001>

<sc_bundles>
// kernel: _center_loss_sc.3.cloned.1.call-start
scs
__scs_entry_jumppad:
0x0: {  	(pc) =	sbr.rel $0x88, $3  }
0x1: {  	(tag) =	ssettag $0x0;
	lr =	simm.s32 $0x1  }
0x2: {  	[smem:$0x3F9E] =	sst lr;
	_ =	strace $0xD0000000  }
0x3: {  	_ = 	snop  }
0x4: {  	_ = 	snop  }
0x5: {  	_ = 	snop  }
0x6: {  	_ = 	snop  }
0x7: {  	_ = 	snop  }
__scs_overlays_trampoline_lowered:
0x8: {  	[smem:$0x3FAD] =	sst s0  }
0x9: {  	[smem:$0x3FAE] =	sst s1  }
0xa: {  	[smem:$0x3FAF] =	sst s2  }
0xb: {  	[smem:$0x3FB0] =	sst s3  }
0xc: {  	[smem:$0x3FB1] =	sst s4  }
0xd: {  	[smem:$0x3FB2] =	sst s5  }
0xe: {  	[smem:$0x3FB3] =	sst s6  }
0xf: {  	[smem:$0x3FB4] =	sst s7  }
0x10: {  	[smem:$0x3FB5] =	sst s8  }
0x11: {  	[smem:$0x3FB6] =	sst s9;
	s0 =	simm.s32 @!p0 $0x0  }
0x12: {  	s1 =	sld [smem:$0x3F9C];
	s0 =	simm.s32 @p0 $0x1  }
0x13: {  	[smem:$0x3FB7] =	sst s0;
	s0 =	simm.s32 @!p1 $0x0  }
0x14: {  	s2 =	sld [smem:$0x3F9B];
	s0 =	simm.s32 @p1 $0x1  }
0x15: {  	[smem:$0x3FB8] =	sst s0;
	s0 =	simm.s32 @!p2 $0x0  }
0x16: {  	s3 =	sld [smem:$0x3FDB];
	s0 =	simm.s32 @p2 $0x1  }
0x17: {  	s4 =	simm.s32 $0x1BF5;
	[smem:$0x3FBA] =	sst s0  }
0x18: {  	s0 =	sld [smem:$0x3F9D];
	_ =	swait.ge [sflag:s4], $0x0  }
0x19: {  	s7 =	sld [smem:$0x3F9E]  }
0x1a: {  	s8 =	sadd.s32 $0xFFFFE003, lr  }
0x1b: {  	s9 =	sadd.s32 $0xFFFFFEF7, lr;
	s5 =	simm.s32 $0xFFFFFFFF;
	p2 =	slt.u32 s8, $0xFFFFF086  }
0x1c: {  	p1 =	slt.u32 s9, $0xF7A;
	s5 =	simm.s32 @!p2 $0x0  }
0x1d: {  	s5 =	simm.s32 @p1 $0x1;
	p0 =	seq.s32 s7, s2  }
0x1e: {  	s7 =	smul.u32 @!p0 $0xF7A, s2;
	p2 =	seq.s32 @!p0 s5, $0x0  }
0x1f: {  	s9 =	smul.u32 $0xF7A, s1;
	s8 =	simm.s32 @!p0 $0x1BF5;
	p2 =	por !p2, p0  }
0x20: {  	[sflag:s8] =	ssyncset.s32 @!p0 $0xFFFFF086;
	s6 =	sadd.s32 @!p0 s3, s7;
	s7 =	simm.s32 @!p0 $0x108  }
0x21: {  	s3 =	sadd.s32 s3, s9;
	s6 =	sadd.s32 @!p0 $0x88, s6;
	s7 =	simm.s32 @p2 $0x1082  }
0x22: {  	[simem:s7], [sflag:s8] =	dma.local @!p0 [hbm:s6], $0xF7A  }
0x23: {  	s9 =	sor.u32 $0xD0000000, s2;
	s6 =	simm.s32 $0x108;
	_ =	swait.ge @!p0 [sflag:s8], $0x0  }
0x24: {  	s3 =	sadd.s32 $0x88, s3;
	s6 =	simm.s32 @!p1 $0x1082;
	[sflag:s4] =	ssyncset.s32 $0xFFFFF086  }
0x25: {  	[simem:s6], [sflag:s4] =	dma.local [hbm:s3], $0xF7A  }
0x26: {  	[smem:$0x3F9E] =	sst s1;
	(tag) =	ssettag s2;
	_ =	strace s9  }
0x27: {  	s1 =	sld [smem:$0x3FAE]  }
0x28: {  	s2 =	sld [smem:$0x3FAF]  }
0x29: {  	s4 =	sld [smem:$0x3FB1]  }
0x2a: {  	p0 =	seq.s32 s5, $0x0;
	s5 =	sld [smem:$0x3FB2]  }
0x2b: {  	s6 =	sld [smem:$0x3FB3]  }
0x2c: {  	s7 =	sld [smem:$0x3FB4]  }
0x2d: {  	s3 =	simm.s32 $0x108;
	s8 =	sld [smem:$0x3FB5]  }
0x2e: {  	s3 =	simm.s32 @!p0 $0x1082;
	s9 =	sld [smem:$0x3FB6]  }
0x2f: {  	lr =	sadd.s32 s0, s3;
	s0 =	sld [smem:$0x3FAD]  }
0x30: {  	s3 =	sld [smem:$0x3FB0]  }
0x31: {  	[smem:$0x3FB9] =	sst s10  }
0x32: {  	s10 =	sld [smem:$0x3FB7];
	_ =	sdelay $0x3  }
0x33: {  	p0 =	seq.s32 s10, $0x1;
	s10 =	sld [smem:$0x3FB9];
	_ =	sdelay $0x3  }
0x34: {  	[smem:$0x3FB9] =	sst s10  }
0x35: {  	s10 =	sld [smem:$0x3FB8];
	_ =	sdelay $0x3  }
0x36: {  	p1 =	seq.s32 s10, $0x1;
	s10 =	sld [smem:$0x3FB9];
	_ =	sdelay $0x3  }
0x37: {  	[smem:$0x3FB9] =	sst s10  }
0x38: {  	s10 =	sld [smem:$0x3FBA]  }
0x39: {  	_ = 	snop;
	(pc) =	sbr.ind lr, $3  }
0x3a: {  	_ = 	snop  }
0x3b: {  	_ = 	snop  }
0x3c: {  	p2 =	seq.s32 s10, $0x1;
	s10 =	sld [smem:$0x3FB9]  }
0x3d: {  	_ =	shalt  }
0x3e: {  	_ =	shalt  }
0x3f: {  	_ =	shalt  }
0x40: {  	_ =	shalt  }
0x41: {  	_ =	shalt  }
0x42: {  	_ =	shalt  }
0x43: {  	_ =	shalt  }
0x44: {  	_ =	shalt  }
0x45: {  	_ =	shalt  }
0x46: {  	_ =	shalt  }
0x47: {  	_ =	shalt  }
0x48: {  	_ =	shalt  }
0x49: {  	_ =	shalt  }
0x4a: {  	_ =	shalt  }
0x4b: {  	_ =	shalt  }
0x4c: {  	_ =	shalt  }
0x4d: {  	_ =	shalt  }
0x4e: {  	_ =	shalt  }
0x4f: {  	_ =	shalt  }
0x50: {  	_ =	shalt  }
0x51: {  	_ =	shalt  }
0x52: {  	_ =	shalt  }
0x53: {  	_ =	shalt  }
0x54: {  	_ =	shalt  }
0x55: {  	_ =	shalt  }
0x56: {  	_ =	shalt  }
0x57: {  	_ =	shalt  }
0x58: {  	_ =	shalt  }
0x59: {  	_ =	shalt  }
0x5a: {  	_ =	shalt  }
0x5b: {  	_ =	shalt  }
0x5c: {  	_ =	shalt  }
0x5d: {  	_ =	shalt  }
0x5e: {  	_ =	shalt  }
0x5f: {  	_ =	shalt  }
0x60: {  	_ =	shalt  }
0x61: {  	_ =	shalt  }
0x62: {  	_ =	shalt  }
0x63: {  	_ =	shalt  }
0x64: {  	_ =	shalt  }
0x65: {  	_ =	shalt  }
0x66: {  	_ =	shalt  }
0x67: {  	_ =	shalt  }
0x68: {  	_ =	shalt  }
0x69: {  	_ =	shalt  }
0x6a: {  	_ =	shalt  }
0x6b: {  	_ =	shalt  }
0x6c: {  	_ =	shalt  }
0x6d: {  	_ =	shalt  }
0x6e: {  	_ =	shalt  }
0x6f: {  	_ =	shalt  }
0x70: {  	_ =	shalt  }
0x71: {  	_ =	shalt  }
0x72: {  	_ =	shalt  }
0x73: {  	_ =	shalt  }
0x74: {  	_ =	shalt  }
0x75: {  	_ =	shalt  }
0x76: {  	_ =	shalt  }
0x77: {  	_ =	shalt  }
0x78: {  	_ =	shalt  }
0x79: {  	_ =	shalt  }
0x7a: {  	_ =	shalt  }
0x7b: {  	_ =	shalt  }
0x7c: {  	_ =	shalt  }
0x7d: {  	_ =	shalt  }
0x7e: {  	_ =	shalt  }
0x7f: {  	_ =	shalt  }
0x80: {  	_ =	shalt  }
0x81: {  	_ =	shalt  }
0x82: {  	_ =	shalt  }
0x83: {  	_ =	shalt  }
0x84: {  	_ =	shalt  }
0x85: {  	_ =	shalt  }
0x86: {  	_ =	shalt  }
0x87: {  	_ =	shalt  }
.Lfunc_end0:
.L_simem_size_0:
called_computation_lowered:
.L_overlay_start_0:
0x88: {  	s2 =	sld [smem:$0x3FD9]  }
0x89: {  	s3 =	sld [smem:$0x3FFE];
	_ =	sdelay $0x1  }
0x8a: {  	s1 =	srdreg.scid  }
0x8b: {  	s0 =	sand.u32 $0x1, s1  }
0x8c: {  	s17 =	sshll.u32 s0, $0xA;
	s2 =	sadd.s32 s3, s2  }
0x8d: {  	s2 =	sadd.s32 s2, s17  }
0x8e: {  	[smem:$0x3FC5] =	sst s2  }
0x8f: {  	_ = 	snop  }
0x90: {  	s2 =	sld [smem:$0x3FC9]  }
0x91: {  	s18 =	sld [smem:$0x3FC8]  }
0x92: {  	s4 =	sld [smem:$0x3FC7];
	(tm) =	ssettm $0x1  }
0x93: {  	s5 =	sld [smem:$0x3FFB];
	_ =	sdelay $0x3  }
0x94: {  	_ =	strace s5  }
0x95: {  	s5 =	sld [smem:$0x3FFC];
	_ =	sdelay $0x3  }
0x96: {  	_ =	strace s5  }
0x97: {  	s5 =	sld [smem:$0x3FFD];
	_ =	sdelay $0x3  }
0x98: {  	_ =	strace s5  }
0x99: {  	_ =	strace $0x8FFFFFFF  }
0x9a: {  	s19 =	sld [smem:$0x3FDB];
	_ =	sdelay $0x1  }
0x9b: {  	s6 =	simm.s32 $_scs_section_size  }
0x9c: {  	s7 =	simm.s32 $_size__tile_overlayer_lowered;
	s8 =	simm.s32 $_tile_overlayer_lowered  }
0x9d: {  	s22 =	simm.s32 $0x1BFF;
	s21 =	sshll.u32 s8, $0x1;
	s5 =	sadd.s32 s6, s19  }
0x9e: {  	s9 =	simm.s32 $0x0;
	s20 =	sshll.u32 s7, $0x1;
	s7 =	sadd.s32 s21, s5  }
0x9f: {  	[timem:s9], [sflag:s22] =	dma.local [hbm:s7], s20  }
0xa0: {  	_ =	swait.ge [sflag:s22], s20  }
0xa1: {  	s6 =	ssub.s32 $0x0, s20;
	[sflag:s22] =	ssyncset.done $0x0  }
0xa2: {  	[sflag:s22] =	ssyncadd.s32 s6;
	_ =	sdelay $0x1  }
0xa3: {  	s23 =	simm.s32 $0x1B8B  }
0xa4: {  	_ =	swait.ge [sflag:s23], $0x1  }
0xa5: {  	[sflag:s23] =	ssyncset.done $0x0  }
0xa6: {  	s25 =	simm.s32 $0x1B8E;
	s24 =	sld [smem:$0x3FFE];
	[sflag:s23] =	ssyncadd.s32 $0xFFFFFFFF  }
0xa7: {  	s26 =	simm.s32 $execute0_lowered;
	[smem:$0x3FD2] =	sst s25  }
0xa8: {  	s7 =	sshll.u32 s26, $0x1;
	_ =	strace $0x80000046;
	[dreg:$0x1] =	wrdreg $0xFFFFFFFF  }
0xa9: {  	s28 =	simm.s32 $_size_execute0_lowered;
	s5 =	sadd.s32 s5, s7;
	[dreg:$0x0] =	wrdreg $0x0  }
0xaa: {  	s7 =	sshll.u32 s28, $0x1;
	[dreg:$0x2] =	wrdreg s5  }
0xab: {  	[dreg:$0x3] =	wrdreg s7  }
0xac: {  	[dreg:$0x4] =	wrdreg $0xC0  }
0xad: {  	_ =	task [dreg:s9], $0x5FFFF  }
0xae: {  	[dreg:$0x1] =	wrdreg $0xFFFFFFFF  }
0xaf: {  	[dreg:$0x0] =	wrdreg $0x60  }
0xb0: {  	[dreg:$0x2] =	wrdreg s2  }
0xb1: {  	[dreg:$0x3] =	wrdreg s18  }
0xb2: {  	[dreg:$0x4] =	wrdreg s4  }
0xb3: {  	[dreg:$0x5] =	wrdreg s24  }
0xb4: {  	[dreg:$0x6] =	wrdreg $0x9  }
0xb5: {  	_ =	task.clear_ibuf [dreg:s9], $0x7FFFF;
	_ =	strace $0x90000046  }
0xb6: {  	s29 =	simm.s32 $0x9;
	_ =	strace $0x80000048  }
0xb7: {  	_ =	swait.ge [sflag:s29], $0x1  }
0xb8: {  	[sflag:s29] =	ssyncadd.s32 $0xFFFFFFFF  }
0xb9: {  	_ =	strace $0x90000048  }
0xba: {  	_ =	sfence  }
0xbb: {  	s30 =	sld [smem:$0x0];
	_ =	sdelay $0x2  }
0xbc: {  	s31 =	sshll.u32 s1, $0xD;
	s1 =	sshrl.u32 s1, $0x2  }
0xbd: {  	s3 =	sand.u32 $0x4000, s31;
	s1 =	sadd.s32 s1, s30  }
0xbe: {  	s0 =	sor.u32 s3, s0;
	s1 =	sshll.u32 s1, $0x11  }
0xbf: {  	s0 =	sor.u32 s1, s0  }
0xc0: {  	s0 =	sadd.s32 $0x8F2B, s0  }
0xc1: {  	[sflag:s0] =	ssyncadd.remote.s32 $0x1  }
0xc2: {  	_ =	sfence.sel $0xFFFF  }
0xc3: {  	[dreg:$0x0] =	wrdreg $0xFFFFFFFF;
	(pc) =	sbr.abs _section_cstart, $3  }
0xc4: {  	[dreg:$0x1] =	wrdreg $0xFFFFFFFF  }
0xc5: {  	_ =	task.clear_ibuf [dreg:s9], $0x2FFFF;
	_ =	strace $0x9FFFFFFF  }
0xc6: {  	(tm) =	ssettm $0x7FFFFFFF  }
0xc7: {  	_ =	shalt  }
tec
execute0_lowered:
.L_overlay_start_1:
0x0: {  	(tag) =	ssettag $0x1  }
0x1: {  	s1 =	rddreg [dreg:$0x0]  }
0x2: {  	s10 =	rddreg [dreg:$0x1]  }
0x3: {  	s9 =	rddreg [dreg:$0x2]  }
0x4: {  	s14 =	rddreg [dreg:$0x3]  }
0x5: {  	s0 =	rddreg [dreg:$0x4]  }
0x6: {  	s4 =	srdreg.scid;
	s2 =	stileid.u32  }
0x7: {  	s3 =	simm.s32 $0x0;
	s21 =	simm.s32 $0x2;
	s22 =	simm.s32 $0x1E700  }
0x8: {  	s23 =	simm.s32 $0x4;
	s24 =	simm.s32 $0x0;
	s4 =	sand.u32 $0x1, s4  }
0x9: {  	s5 =	sshll.u32 s2, $0x1;
	[smem:$0x7FF] =	sst s3;
	s26 =	sshrl.u32 s2, $0x1  }
0xa: {  	s16 =	sadd.s32 $0x1000, s10;
	s17 =	sadd.s32 $0x2000, s10;
	s30 =	sadd.s32 $0x3000, s10  }
0xb: {  	s13 =	sor.u32 s4, s5;
	_ =	strace $0x80000047;
	s8 =	smul.u32 $0xC3800, s26  }
0xc: {  	s4 =	ssub.s32 $0x2, s4;
	s11 =	sshll.u32 s26, $0x11;
	s6 =	sshll.u32 s13, $0x8  }
0xd: {  	s28 =	sshrl.u32 s4, $0x1;
	s31 =	sshll.u32 s13, $0x4;
	s7 =	sand.u32 $0x300, s6  }
0xe: {  	s15 =	ssub.s32 s4, s28;
	s14 =	sadd.s32 s14, s31;
	s6 =	sor.u32 s8, s7  }
0xf: {  	s12 =	sor.u32 s11, s7;
	s18 =	sor.u32 $0x80, s7;
	s15 =	smax.u32 s15, $0x1  }
0x10: {  	s29 =	sshrl.u32 s6, $0x3;
	s12 =	sshrl.u32 s12, $0x3;
	s8 =	sor.u32 s8, s18  }
0x11: {  	s11 =	sor.u32 s11, s18;
	s18 =	simm.s32 $0x400;
	s4 =	sadd.s32 s9, s29  }
0x12: {  	s5 =	sadd.s32 s10, s12;
	s6 =	sadd.s32 s12, s16;
	s7 =	sadd.s32 s12, s17  }
0x13: {  	s19 =	sshrl.u32 s8, $0x3;
	s20 =	sshrl.u32 s11, $0x3;
	s8 =	sadd.s32 s12, s30  }
0x14: {  	s9 =	sadd.s32 s9, s19;
	s10 =	sadd.s32 s10, s20;
	s11 =	sadd.s32 s20, s16  }
0x15: {  	s12 =	sadd.s32 s20, s17;
	s13 =	sadd.s32 s20, s30;
	s16 =	simm.s32 $0x18700  }
0x16: {  	s17 =	simm.s32 $0x80;
	s19 =	simm.s32 $0x3;
	s20 =	simm.s32 $0x1  }
.LBB2_1:
0x17: {  	[tilespmem:s16], [sflag:$0x3] =	stream.linear.gather [hbm4b:s1+s3], $0x4000, $0x38;
	[tilespmem:$0x1E780] =	vst v63  }
0x18: {  	s25 =	simm.s32 $0x1C700  }
0x19: {  	s26 =	simm.s32 $0x80;
	s29 =	sadd.s32 $0x0, s5;
	s28 =	simm.s32 $0x1C800  }
0x1a: {  	[tilespmem:s3], [sflag:$0x1] =	stream.strided.gather [hbm4b:s4+s17], $0x18700, s18, s17, $0x38;
	[tilespmem:$0x1E780] =	vst v63  }
.LBB2_2:
0x1b: {  	[tilespmem:s25], [sflag:$0x2] =	stream.linear.gather [hbm4b:s29+s3], $0x80, $0x38;
	[tilespmem:$0x1E780] =	vst v63  }
0x1c: {  	s29 =	smov.u32 s26;
	s25 =	smov.u32 s28;
	p0 =	sne.s32 s26, $0xF80  }
.Ltmp0:
0x1d: {  	s26 =	sadd.s32 $0x80, s26;
	(pc) =	sbr.rel @p0 .LBB2_2-.Ltmp0, $2  }
0x1e: {  	_ =	sdelay $0x2  }
0x1f: {  	s28 =	sadd.s32 $0x100, s28;
	s29 =	sadd.s32 s29, s5  }
0x20: {  	[tilespmem:s25], [sflag:$0x2] =	stream.linear.gather [hbm4b:s29+s3], $0x80, $0x38;
	[tilespmem:$0x1E780] =	vst v63  }
0x21: {  	s25 =	simm.s32 $0x1C780  }
0x22: {  	s26 =	simm.s32 $0x80;
	s29 =	sadd.s32 $0x0, s6;
	s28 =	simm.s32 $0x1C880  }
.LBB2_4:
0x23: {  	[tilespmem:s25], [sflag:$0x2] =	stream.linear.gather [hbm4b:s29+s3], $0x80, $0x38;
	[tilespmem:$0x1E780] =	vst v63  }
0x24: {  	s29 =	smov.u32 s26;
	s25 =	smov.u32 s28;
	p0 =	sne.s32 s26, $0xF80  }
.Ltmp1:
0x25: {  	s26 =	sadd.s32 $0x80, s26;
	(pc) =	sbr.rel @p0 .LBB2_4-.Ltmp1, $2  }
0x26: {  	_ =	sdelay $0x2  }
0x27: {  	s28 =	sadd.s32 $0x100, s28;
	s29 =	sadd.s32 s29, s6  }
0x28: {  	[tilespmem:s25], [sflag:$0x2] =	stream.linear.gather [hbm4b:s29+s3], $0x80, $0x38;
	[tilespmem:$0x1E780] =	vst v63  }
0x29: {  	_ =	swait.ge [sflag:s19], $0x4000  }
0x2a: {  	[sflag:s19] =	ssyncset.done $0x0  }
0x2b: {  	[sflag:s19] =	ssyncadd.s32 $0xFFFFC000  }
0x2c: {  	_ =	swait.ge [sflag:s20], $0x18700  }
0x2d: {  	[sflag:s20] =	ssyncset.done $0x0  }
0x2e: {  	[sflag:s20] =	ssyncadd.s32 $0xFFFE7900  }
0x2f: {  	_ =	swait.ge [sflag:s21], $0x1000  }
0x30: {  	[sflag:s21] =	ssyncset.done $0x0  }
0x31: {  	s31 =	simm.s32 $0x18740;
	[sflag:s21] =	ssyncadd.s32 $0xFFFFF000  }
0x32: {  	v0 =	vld [tilespmem:s31+$0x30]  }
0x33: {  	v1 =	vld [tilespmem:s31+$0xFFFFFFD0]  }
0x34: {  	v2 =	vld [tilespmem:s31+$0xFFFFFFE0]  }
0x35: {  	v3 =	vld [tilespmem:s31+$0xFFFFFFF0]  }
0x36: {  	v4 =	vld [tilespmem:s31+$0x0]  }
0x37: {  	v5 =	vld [tilespmem:s31+$0x10]  }
0x38: {  	v6 =	vld [tilespmem:s31+$0xFFFFFFC0]  }
0x39: {  	s25 =	simm.s32 $0x1C740;
	v8 =	vld [tilespmem:s31+$0x20]  }
0x3a: {  	v9 =	vld [tilespmem:s25+$0x30]  }
0x3b: {  	v17 =	vld [tilespmem:s25+$0xFFFFFFE0]  }
0x3c: {  	v0 =	vld.idx.msk [tilespmem:v0+s3+$0x0], $0xffff  }
0x3d: {  	v13 =	vld.idx.msk [tilespmem:v1+s3+$0x0], $0xffff  }
0x3e: {  	v12 =	vld.idx.msk [tilespmem:v2+s3+$0x0], $0xffff  }
0x3f: {  	v11 =	vld.idx.msk [tilespmem:v3+s3+$0x0], $0xffff  }
0x40: {  	v7 =	vld.idx.msk [tilespmem:v4+s3+$0x0], $0xffff  }
0x41: {  	v2 =	vld.idx.msk [tilespmem:v6+s3+$0x0], $0xffff  }
0x42: {  	v3 =	vld [tilespmem:s25+$0xFFFFFFC0]  }
0x43: {  	v4 =	vld [tilespmem:s25+$0xFFFFFFD0]  }
0x44: {  	v16 =	vld [tilespmem:s25+$0xFFFFFFF0]  }
0x45: {  	v14 =	vld [tilespmem:s25+$0x0];
	v0 =	vsub.f32 v9, v0  }
0x46: {  	v10 =	vld.idx.msk [tilespmem:v8+s3+$0x0], $0xffff;
	v1 =	vimm.f32 $0.0e+00;
	v8 =	vimm.f32 $0.0e+00  }
0x47: {  	v6 =	vimm.f32 $0.0e+00;
	v9 =	vld.idx.msk [tilespmem:v5+s3+$0x0], $0xffff;
	v19 =	vsub.f32 v3, v2;
	v0 =	vmul.f32 v0, v0  }
0x48: {  	v18 =	vsub.f32 v4, v13;
	v13 =	vld [tilespmem:s25+$0x10];
	v2 =	vimm.f32 $0.0e+00;
	v3 =	vimm.f32 $0.0e+00  }
0x49: {  	s26 =	simm.s32 $0x0;
	s28 =	simm.s32 $0x187C0;
	v15 =	vld [tilespmem:s25+$0x20];
	v4 =	vimm.f32 $0.0e+00;
	v5 =	vimm.f32 $0.0e+00;
	v0 =	vadd.f32 v0, v1  }
.LBB2_6:
0x4a: {  	v20 =	vld [tilespmem:s28+$0x30];
	s26 =	sadd.s32 $0x8, s26;
	v19 =	vmul.f32 v19, v19;
	v12 =	vsub.f32 v17, v12  }
0x4b: {  	v17 =	vld [tilespmem:s28+$0xFFFFFFD0];
	p0 =	slt.u32 s26, $0xF8;
	v18 =	vmul.f32 v18, v18;
	v11 =	vsub.f32 v16, v11  }
0x4c: {  	v16 =	vld [tilespmem:s28+$0xFFFFFFE0];
	v1 =	vadd.f32 v19, v1;
	v12 =	vmul.f32 v12, v12;
	v7 =	vsub.f32 v14, v7  }
0x4d: {  	v14 =	vld [tilespmem:s28+$0xFFFFFFF0];
	v2 =	vadd.f32 v18, v2;
	v11 =	vmul.f32 v11, v11;
	v9 =	vsub.f32 v13, v9  }
0x4e: {  	v13 =	vld [tilespmem:s28+$0x0];
	v3 =	vadd.f32 v12, v3;
	v7 =	vmul.f32 v7, v7;
	v10 =	vsub.f32 v15, v10  }
0x4f: {  	v15 =	vld [tilespmem:s28+$0x10];
	v4 =	vadd.f32 v11, v4;
	v9 =	vmul.f32 v9, v9  }
0x50: {  	v18 =	vld [tilespmem:s28+$0x20];
	v8 =	vadd.f32 v7, v8;
	v7 =	vmul.f32 v10, v10  }
0x51: {  	v10 =	vld [tilespmem:s28+$0xFFFFFFC0];
	v5 =	vadd.f32 v9, v5  }
0x52: {  	s25 =	sadd.s32 $0x100, s25;
	v19 =	vld.idx.msk [tilespmem:v20+s3+$0x0], $0xffff;
	v6 =	vadd.f32 v7, v6  }
0x53: {  	v20 =	vld [tilespmem:s25+$0x30]  }
0x54: {  	v21 =	vld.idx.msk [tilespmem:v17+s3+$0x0], $0xffff  }
0x55: {  	v12 =	vld.idx.msk [tilespmem:v16+s3+$0x0], $0xffff  }
0x56: {  	v11 =	vld.idx.msk [tilespmem:v14+s3+$0x0], $0xffff  }
0x57: {  	v7 =	vld.idx.msk [tilespmem:v13+s3+$0x0], $0xffff  }
0x58: {  	v9 =	vld.idx.msk [tilespmem:v15+s3+$0x0], $0xffff;
	v13 =	vsub.f32 v20, v19  }
0x59: {  	v15 =	vld.idx.msk [tilespmem:v10+s3+$0x0], $0xffff  }
0x5a: {  	v10 =	vld.idx.msk [tilespmem:v18+s3+$0x0], $0xffff;
	v13 =	vmul.f32 v13, v13  }
0x5b: {  	v18 =	vld [tilespmem:s25+$0xFFFFFFC0]  }
0x5c: {  	v20 =	vld [tilespmem:s25+$0xFFFFFFD0];
	v0 =	vadd.f32 v13, v0  }
.Ltmp2:
0x5d: {  	v17 =	vld [tilespmem:s25+$0xFFFFFFE0];
	(pc) =	sbr.rel @p0 .LBB2_6-.Ltmp2, $4  }
0x5e: {  	v16 =	vld [tilespmem:s25+$0xFFFFFFF0]  }
0x5f: {  	v14 =	vld [tilespmem:s25+$0x0]  }
0x60: {  	v19 =	vsub.f32 v18, v15;
	v13 =	vld [tilespmem:s25+$0x10]  }
0x61: {  	s28 =	sadd.s32 $0x80, s28;
	v18 =	vsub.f32 v20, v21;
	v15 =	vld [tilespmem:s25+$0x20]  }
0x62: {  	_ = 	snop  }
0x63: {  	v19 =	vmul.f32 v19, v19  }
0x64: {  	v12 =	vsub.f32 v17, v12;
	v11 =	vsub.f32 v16, v11  }
0x65: {  	v62 =	vmul.f32 v18, v18;
	v1 =	vadd.f32 v19, v1;
	v7 =	vsub.f32 v14, v7  }
0x66: {  	v12 =	vmul.f32 v12, v12;
	v9 =	vsub.f32 v13, v9;
	v10 =	vsub.f32 v15, v10  }
0x67: {  	v2 =	vadd.f32 v62, v2;
	v11 =	vmul.f32 v11, v11;
	v63 =	vmul.f32 v7, v7  }
0x68: {  	v3 =	vadd.f32 v12, v3;
	v9 =	vmul.f32 v9, v9;
	v10 =	vmul.f32 v10, v10  }
0x69: {  	s25 =	simm.s32 $0x1C700;
	v7 =	vadd.f32 v11, v4;
	v8 =	vadd.f32 v63, v8  }
0x6a: {  	s26 =	simm.s32 $0x80;
	s29 =	sadd.s32 $0x0, s7;
	s28 =	simm.s32 $0x1C800;
	v9 =	vadd.f32 v9, v5;
	v10 =	vadd.f32 v10, v6  }
.LBB2_8:
0x6b: {  	[tilespmem:s25], [sflag:$0x2] =	stream.linear.gather [hbm4b:s29+s3], $0x80, $0x38;
	[tilespmem:$0x1E780] =	vst v63  }
0x6c: {  	s29 =	smov.u32 s26;
	s25 =	smov.u32 s28;
	p0 =	sne.s32 s26, $0xF80  }
.Ltmp3:
0x6d: {  	s26 =	sadd.s32 $0x80, s26;
	(pc) =	sbr.rel @p0 .LBB2_8-.Ltmp3, $2  }
0x6e: {  	_ =	sdelay $0x2  }
0x6f: {  	s28 =	sadd.s32 $0x100, s28;
	s29 =	sadd.s32 s29, s7  }
0x70: {  	[tilespmem:s25], [sflag:$0x2] =	stream.linear.gather [hbm4b:s29+s3], $0x80, $0x38;
	[tilespmem:$0x1E780] =	vst v63  }
0x71: {  	_ =	swait.ge [sflag:s21], $0x1000  }
0x72: {  	[sflag:s21] =	ssyncset.done $0x0  }
0x73: {  	s31 =	simm.s32 $0x19770;
	[sflag:s21] =	ssyncadd.s32 $0xFFFFF000  }
0x74: {  	v4 =	vld [tilespmem:s31+$0x0]  }
0x75: {  	v5 =	vld [tilespmem:s31+$0xFFFFFFA0]  }
0x76: {  	v6 =	vld [tilespmem:s31+$0xFFFFFFB0]  }
0x77: {  	v11 =	vld [tilespmem:s31+$0xFFFFFFC0]  }
0x78: {  	v12 =	vld [tilespmem:s31+$0xFFFFFFD0]  }
0x79: {  	v14 =	vld [tilespmem:s31+$0xFFFFFFE0]  }
0x7a: {  	v15 =	vld [tilespmem:s31+$0xFFFFFFF0]  }
0x7b: {  	s25 =	simm.s32 $0x1C7F0;
	v16 =	vld [tilespmem:s31+$0xFFFFFF90]  }
0x7c: {  	v18 =	vld [tilespmem:s25+$0x0]  }
0x7d: {  	v19 =	vld [tilespmem:s25+$0xFFFFFF90]  }
0x7e: {  	v17 =	vld.idx.msk [tilespmem:v4+s3+$0x0], $0xffff  }
0x7f: {  	v20 =	vld.idx.msk [tilespmem:v5+s3+$0x0], $0xffff  }
0x80: {  	v13 =	vld.idx.msk [tilespmem:v6+s3+$0x0], $0xffff  }
0x81: {  	v5 =	vld.idx.msk [tilespmem:v11+s3+$0x0], $0xffff  }
0x82: {  	v12 =	vld.idx.msk [tilespmem:v12+s3+$0x0], $0xffff  }
0x83: {  	v4 =	vld.idx.msk [tilespmem:v14+s3+$0x0], $0xffff  }
0x84: {  	v14 =	vld.idx.msk [tilespmem:v16+s3+$0x0], $0xffff  }
0x85: {  	v6 =	vld.idx.msk [tilespmem:v15+s3+$0x0], $0xffff  }
0x86: {  	v11 =	vsub.f32 v18, v17;
	v18 =	vld [tilespmem:s25+$0xFFFFFFA0]  }
0x87: {  	v17 =	vld [tilespmem:s25+$0xFFFFFFB0]  }
0x88: {  	v16 =	vld [tilespmem:s25+$0xFFFFFFC0];
	v11 =	vmul.f32 v11, v11  }
0x89: {  	v15 =	vld [tilespmem:s25+$0xFFFFFFD0]  }
0x8a: {  	v19 =	vsub.f32 v19, v14;
	v11 =	vadd.f32 v11, v0;
	v0 =	vld [tilespmem:s25+$0xFFFFFFE0]  }
0x8b: {  	s26 =	simm.s32 $0x0;
	s28 =	simm.s32 $0x197F0;
	v14 =	vld [tilespmem:s25+$0xFFFFFFF0];
	v18 =	vsub.f32 v18, v20  }
.LBB2_10:
0x8c: {  	v20 =	vld [tilespmem:s28+$0x0];
	s26 =	sadd.s32 $0x8, s26;
	v19 =	vmul.f32 v19, v19;
	v13 =	vsub.f32 v17, v13  }
0x8d: {  	v17 =	vld [tilespmem:s28+$0xFFFFFFA0];
	p0 =	slt.u32 s26, $0xF8;
	v18 =	vmul.f32 v18, v18;
	v5 =	vsub.f32 v16, v5  }
0x8e: {  	v16 =	vld [tilespmem:s28+$0xFFFFFFB0];
	v1 =	vadd.f32 v19, v1;
	v13 =	vmul.f32 v13, v13;
	v12 =	vsub.f32 v15, v12  }
0x8f: {  	v15 =	vld [tilespmem:s28+$0xFFFFFFC0];
	v2 =	vadd.f32 v18, v2;
	v5 =	vmul.f32 v5, v5;
	v0 =	vsub.f32 v0, v4  }
0x90: {  	v4 =	vld [tilespmem:s28+$0xFFFFFFD0];
	v3 =	vadd.f32 v13, v3;
	v12 =	vmul.f32 v12, v12;
	v6 =	vsub.f32 v14, v6  }
0x91: {  	v14 =	vld [tilespmem:s28+$0xFFFFFFE0];
	v7 =	vadd.f32 v5, v7;
	v0 =	vmul.f32 v0, v0  }
0x92: {  	v18 =	vld [tilespmem:s28+$0xFFFFFFF0];
	v8 =	vadd.f32 v12, v8;
	v5 =	vmul.f32 v6, v6  }
0x93: {  	v6 =	vld [tilespmem:s28+$0xFFFFFF90];
	v9 =	vadd.f32 v0, v9  }
0x94: {  	s25 =	sadd.s32 $0x100, s25;
	v0 =	vld.idx.msk [tilespmem:v20+s3+$0x0], $0xffff;
	v10 =	vadd.f32 v5, v10  }
0x95: {  	v19 =	vld [tilespmem:s25+$0x0]  }
0x96: {  	v20 =	vld.idx.msk [tilespmem:v17+s3+$0x0], $0xffff  }
0x97: {  	v13 =	vld.idx.msk [tilespmem:v16+s3+$0x0], $0xffff  }
0x98: {  	v5 =	vld.idx.msk [tilespmem:v15+s3+$0x0], $0xffff  }
0x99: {  	v12 =	vld.idx.msk [tilespmem:v4+s3+$0x0], $0xffff  }
0x9a: {  	v4 =	vld.idx.msk [tilespmem:v14+s3+$0x0], $0xffff;
	v0 =	vsub.f32 v19, v0  }
0x9b: {  	v14 =	vld.idx.msk [tilespmem:v6+s3+$0x0], $0xffff  }
0x9c: {  	v6 =	vld.idx.msk [tilespmem:v18+s3+$0x0], $0xffff;
	v0 =	vmul.f32 v0, v0  }
0x9d: {  	v18 =	vld [tilespmem:s25+$0xFFFFFF90]  }
0x9e: {  	v21 =	vld [tilespmem:s25+$0xFFFFFFA0];
	v11 =	vadd.f32 v0, v11  }
.Ltmp4:
0x9f: {  	v17 =	vld [tilespmem:s25+$0xFFFFFFB0];
	(pc) =	sbr.rel @p0 .LBB2_10-.Ltmp4, $4  }
0xa0: {  	v16 =	vld [tilespmem:s25+$0xFFFFFFC0]  }
0xa1: {  	v15 =	vld [tilespmem:s25+$0xFFFFFFD0]  }
0xa2: {  	v19 =	vsub.f32 v18, v14;
	v0 =	vld [tilespmem:s25+$0xFFFFFFE0]  }
0xa3: {  	s28 =	sadd.s32 $0x80, s28;
	v18 =	vsub.f32 v21, v20;
	v14 =	vld [tilespmem:s25+$0xFFFFFFF0]  }
0xa4: {  	_ = 	snop  }
0xa5: {  	v19 =	vmul.f32 v19, v19  }
0xa6: {  	v13 =	vsub.f32 v17, v13;
	v16 =	vsub.f32 v16, v5  }
0xa7: {  	v60 =	vmul.f32 v18, v18;
	v5 =	vadd.f32 v19, v1;
	v1 =	vsub.f32 v15, v12  }
0xa8: {  	v61 =	vmul.f32 v13, v13;
	v0 =	vsub.f32 v0, v4;
	v62 =	vsub.f32 v14, v6  }
0xa9: {  	v6 =	vadd.f32 v60, v2;
	v2 =	vmul.f32 v16, v16;
	v1 =	vmul.f32 v1, v1  }
0xaa: {  	v4 =	vadd.f32 v61, v3;
	v63 =	vmul.f32 v0, v0;
	v13 =	vmul.f32 v62, v62  }
0xab: {  	s25 =	simm.s32 $0x1C780;
	v3 =	vadd.f32 v2, v7;
	v0 =	vadd.f32 v1, v8  }
0xac: {  	s26 =	simm.s32 $0x80;
	s29 =	sadd.s32 $0x0, s8;
	s28 =	simm.s32 $0x1C880;
	v2 =	vadd.f32 v63, v9;
	v1 =	vadd.f32 v13, v10  }
.LBB2_12:
0xad: {  	[tilespmem:s25], [sflag:$0x2] =	stream.linear.gather [hbm4b:s29+s3], $0x80, $0x38;
	[tilespmem:$0x1E780] =	vst v63  }
0xae: {  	s29 =	smov.u32 s26;
	s25 =	smov.u32 s28;
	p0 =	sne.s32 s26, $0xF80  }
.Ltmp5:
0xaf: {  	s26 =	sadd.s32 $0x80, s26;
	(pc) =	sbr.rel @p0 .LBB2_12-.Ltmp5, $2  }
0xb0: {  	_ =	sdelay $0x2  }
0xb1: {  	s28 =	sadd.s32 $0x100, s28;
	s29 =	sadd.s32 s29, s8  }
0xb2: {  	[tilespmem:s25], [sflag:$0x2] =	stream.linear.gather [hbm4b:s29+s3], $0x80, $0x38;
	[tilespmem:$0x1E780] =	vst v63  }
0xb3: {  	_ =	swait.ge [sflag:s21], $0x1000  }
0xb4: {  	[sflag:s21] =	ssyncset.done $0x0  }
0xb5: {  	s31 =	simm.s32 $0x1A770;
	[sflag:s21] =	ssyncadd.s32 $0xFFFFF000  }
0xb6: {  	v7 =	vld [tilespmem:s31+$0x0]  }
0xb7: {  	v8 =	vld [tilespmem:s31+$0xFFFFFFA0]  }
0xb8: {  	v9 =	vld [tilespmem:s31+$0xFFFFFFB0]  }
0xb9: {  	v10 =	vld [tilespmem:s31+$0xFFFFFFC0]  }
0xba: {  	v12 =	vld [tilespmem:s31+$0xFFFFFFD0]  }
0xbb: {  	v14 =	vld [tilespmem:s31+$0xFFFFFFE0]  }
0xbc: {  	v15 =	vld [tilespmem:s31+$0xFFFFFFF0]  }
0xbd: {  	s25 =	simm.s32 $0x1C740;
	v17 =	vld [tilespmem:s31+$0xFFFFFF90]  }
0xbe: {  	v18 =	vld [tilespmem:s25+$0x30]  }
0xbf: {  	v7 =	vld.idx.msk [tilespmem:v7+s3+$0x0], $0xffff  }
0xc0: {  	v22 =	vld.idx.msk [tilespmem:v8+s3+$0x0], $0xffff  }
0xc1: {  	v16 =	vld.idx.msk [tilespmem:v9+s3+$0x0], $0xffff  }
0xc2: {  	v8 =	vld.idx.msk [tilespmem:v10+s3+$0x0], $0xffff  }
0xc3: {  	v13 =	vld.idx.msk [tilespmem:v12+s3+$0x0], $0xffff  }
0xc4: {  	v9 =	vld.idx.msk [tilespmem:v14+s3+$0x0], $0xffff  }
0xc5: {  	v12 =	vld.idx.msk [tilespmem:v17+s3+$0x0], $0xffff  }
0xc6: {  	v10 =	vld.idx.msk [tilespmem:v15+s3+$0x0], $0xffff  }
0xc7: {  	v14 =	vld [tilespmem:s25+$0xFFFFFFC0]  }
0xc8: {  	v15 =	vld [tilespmem:s25+$0xFFFFFFD0];
	v7 =	vsub.f32 v18, v7  }
0xc9: {  	v21 =	vld [tilespmem:s25+$0xFFFFFFE0]  }
0xca: {  	v20 =	vld [tilespmem:s25+$0xFFFFFFF0];
	v7 =	vmul.f32 v7, v7  }
0xcb: {  	v19 =	vld [tilespmem:s25+$0x0]  }
0xcc: {  	v12 =	vsub.f32 v14, v12;
	v7 =	vadd.f32 v7, v11;
	v11 =	vld [tilespmem:s25+$0x10]  }
0xcd: {  	s26 =	simm.s32 $0x0;
	s28 =	simm.s32 $0x1A7F0;
	v22 =	vsub.f32 v15, v22;
	v18 =	vld [tilespmem:s25+$0x20]  }
.LBB2_14:
0xce: {  	v14 =	vld [tilespmem:s28+$0x0];
	s26 =	sadd.s32 $0x8, s26;
	v12 =	vmul.f32 v12, v12;
	v15 =	vsub.f32 v21, v16  }
0xcf: {  	v16 =	vld [tilespmem:s28+$0xFFFFFFA0];
	p0 =	slt.u32 s26, $0xF8;
	v17 =	vmul.f32 v22, v22;
	v8 =	vsub.f32 v20, v8  }
0xd0: {  	v20 =	vld [tilespmem:s28+$0xFFFFFFB0];
	v5 =	vadd.f32 v12, v5;
	v12 =	vmul.f32 v15, v15;
	v13 =	vsub.f32 v19, v13  }
0xd1: {  	v15 =	vld [tilespmem:s28+$0xFFFFFFC0];
	v6 =	vadd.f32 v17, v6;
	v8 =	vmul.f32 v8, v8;
	v9 =	vsub.f32 v11, v9  }
0xd2: {  	v11 =	vld [tilespmem:s28+$0xFFFFFFD0];
	v4 =	vadd.f32 v12, v4;
	v12 =	vmul.f32 v13, v13;
	v10 =	vsub.f32 v18, v10  }
0xd3: {  	v17 =	vld [tilespmem:s28+$0xFFFFFFE0];
	v3 =	vadd.f32 v8, v3;
	v8 =	vmul.f32 v9, v9  }
0xd4: {  	v18 =	vld [tilespmem:s28+$0xFFFFFFF0];
	v0 =	vadd.f32 v12, v0;
	v9 =	vmul.f32 v10, v10  }
0xd5: {  	v10 =	vld [tilespmem:s28+$0xFFFFFF90];
	v2 =	vadd.f32 v8, v2  }
0xd6: {  	s25 =	sadd.s32 $0x100, s25;
	v12 =	vld.idx.msk [tilespmem:v14+s3+$0x0], $0xffff;
	v1 =	vadd.f32 v9, v1  }
0xd7: {  	v14 =	vld [tilespmem:s25+$0x30]  }
0xd8: {  	v22 =	vld.idx.msk [tilespmem:v16+s3+$0x0], $0xffff  }
0xd9: {  	v16 =	vld.idx.msk [tilespmem:v20+s3+$0x0], $0xffff  }
0xda: {  	v8 =	vld.idx.msk [tilespmem:v15+s3+$0x0], $0xffff  }
0xdb: {  	v13 =	vld.idx.msk [tilespmem:v11+s3+$0x0], $0xffff  }
0xdc: {  	v9 =	vld.idx.msk [tilespmem:v17+s3+$0x0], $0xffff;
	v11 =	vsub.f32 v14, v12  }
0xdd: {  	v12 =	vld.idx.msk [tilespmem:v10+s3+$0x0], $0xffff  }
0xde: {  	v10 =	vld.idx.msk [tilespmem:v18+s3+$0x0], $0xffff;
	v11 =	vmul.f32 v11, v11  }
0xdf: {  	v14 =	vld [tilespmem:s25+$0xFFFFFFC0]  }
0xe0: {  	v15 =	vld [tilespmem:s25+$0xFFFFFFD0];
	v7 =	vadd.f32 v11, v7  }
.Ltmp6:
0xe1: {  	v21 =	vld [tilespmem:s25+$0xFFFFFFE0];
	(pc) =	sbr.rel @p0 .LBB2_14-.Ltmp6, $4  }
0xe2: {  	v20 =	vld [tilespmem:s25+$0xFFFFFFF0]  }
0xe3: {  	v19 =	vld [tilespmem:s25+$0x0]  }
0xe4: {  	v12 =	vsub.f32 v14, v12;
	v11 =	vld [tilespmem:s25+$0x10]  }
0xe5: {  	s28 =	sadd.s32 $0x80, s28;
	v22 =	vsub.f32 v15, v22;
	v18 =	vld [tilespmem:s25+$0x20]  }
0xe6: {  	_ =	swait.ge [sflag:s21], $0x1000  }
0xe7: {  	[sflag:s21] =	ssyncset.done $0x0  }
0xe8: {  	s25 =	simm.s32 $0x1B770;
	[sflag:s21] =	ssyncadd.s32 $0xFFFFF000  }
0xe9: {  	v14 =	vld [tilespmem:s25+$0x0]  }
0xea: {  	v15 =	vld [tilespmem:s25+$0xFFFFFFA0]  }
0xeb: {  	v17 =	vld [tilespmem:s25+$0xFFFFFFB0]  }
0xec: {  	v23 =	vld [tilespmem:s25+$0xFFFFFFC0]  }
0xed: {  	v24 =	vld [tilespmem:s25+$0xFFFFFFD0]  }
0xee: {  	v25 =	vld [tilespmem:s25+$0xFFFFFFE0]  }
0xef: {  	v26 =	vld [tilespmem:s25+$0xFFFFFFF0]  }
0xf0: {  	v59 =	vmul.f32 v12, v12;
	v60 =	vmul.f32 v22, v22;
	v27 =	vld [tilespmem:s25+$0xFFFFFF90];
	s25 =	simm.s32 $0x1C7F0  }
0xf1: {  	v16 =	vsub.f32 v21, v16;
	v20 =	vsub.f32 v20, v8;
	v29 =	vld [tilespmem:s25+$0x0]  }
0xf2: {  	v8 =	vadd.f32 v59, v5;
	v5 =	vadd.f32 v60, v6;
	v62 =	vld [tilespmem:s25+$0xFFFFFF90]  }
0xf3: {  	v6 =	vmul.f32 v16, v16;
	v9 =	vsub.f32 v11, v9;
	v11 =	vmul.f32 v20, v20;
	v20 =	vld [tilespmem:s25+$0xFFFFFFA0]  }
0xf4: {  	v16 =	vld [tilespmem:s25+$0xFFFFFFB0]  }
0xf5: {  	v4 =	vadd.f32 v6, v4;
	v9 =	vmul.f32 v9, v9;
	v6 =	vadd.f32 v11, v3;
	v3 =	vld [tilespmem:s25+$0xFFFFFFD0]  }
0xf6: {  	v28 =	vld.idx.msk [tilespmem:v14+s3+$0x0], $0xffff  }
0xf7: {  	v9 =	vadd.f32 v9, v2;
	v2 =	vld [tilespmem:s25+$0xFFFFFFE0]  }
0xf8: {  	v30 =	vld.idx.msk [tilespmem:v15+s3+$0x0], $0xffff  }
0xf9: {  	v17 =	vld.idx.msk [tilespmem:v17+s3+$0x0], $0xffff  }
0xfa: {  	v19 =	vsub.f32 v19, v13;
	v61 =	vld.idx.msk [tilespmem:v27+s3+$0x0], $0xffff  }
0xfb: {  	v10 =	vsub.f32 v18, v10;
	v15 =	vld.idx.msk [tilespmem:v23+s3+$0x0], $0xffff;
	v18 =	vsub.f32 v29, v28  }
0xfc: {  	v19 =	vmul.f32 v19, v19;
	v14 =	vld.idx.msk [tilespmem:v24+s3+$0x0], $0xffff  }
0xfd: {  	v11 =	vmul.f32 v10, v10;
	v63 =	vmul.f32 v18, v18;
	v18 =	vld [tilespmem:s25+$0xFFFFFFC0]  }
0xfe: {  	v10 =	vadd.f32 v19, v0;
	v12 =	vld.idx.msk [tilespmem:v25+s3+$0x0], $0xffff  }
0xff: {  	v11 =	vadd.f32 v11, v1;
	v13 =	vld.idx.msk [tilespmem:v26+s3+$0x0], $0xffff;
	v19 =	vsub.f32 v62, v61  }
0x100: {  	s26 =	simm.s32 $0x0;
	s28 =	simm.s32 $0x1B7F0;
	v1 =	vsub.f32 v20, v30;
	v0 =	vadd.f32 v63, v7;
	v7 =	vld [tilespmem:s25+$0xFFFFFFF0]  }
.LBB2_16:
0x101: {  	v20 =	vld [tilespmem:s28+$0x0];
	s26 =	sadd.s32 $0x8, s26;
	v19 =	vmul.f32 v19, v19;
	v16 =	vsub.f32 v16, v17  }
0x102: {  	v17 =	vld [tilespmem:s28+$0xFFFFFFA0];
	p0 =	slt.u32 s26, $0xF8;
	v1 =	vmul.f32 v1, v1;
	v15 =	vsub.f32 v18, v15  }
0x103: {  	v18 =	vld [tilespmem:s28+$0xFFFFFFB0];
	v8 =	vadd.f32 v19, v8;
	v16 =	vmul.f32 v16, v16;
	v3 =	vsub.f32 v3, v14  }
0x104: {  	v14 =	vld [tilespmem:s28+$0xFFFFFFC0];
	v5 =	vadd.f32 v1, v5;
	v1 =	vmul.f32 v15, v15;
	v2 =	vsub.f32 v2, v12  }
0x105: {  	v12 =	vld [tilespmem:s28+$0xFFFFFFD0];
	v4 =	vadd.f32 v16, v4;
	v3 =	vmul.f32 v3, v3;
	v7 =	vsub.f32 v7, v13  }
0x106: {  	v13 =	vld [tilespmem:s28+$0xFFFFFFE0];
	v6 =	vadd.f32 v1, v6;
	v1 =	vmul.f32 v2, v2  }
0x107: {  	v2 =	vld [tilespmem:s28+$0xFFFFFFF0];
	v10 =	vadd.f32 v3, v10;
	v3 =	vmul.f32 v7, v7  }
0x108: {  	v7 =	vld [tilespmem:s28+$0xFFFFFF90];
	v9 =	vadd.f32 v1, v9  }
0x109: {  	s25 =	sadd.s32 $0x100, s25;
	v1 =	vld.idx.msk [tilespmem:v20+s3+$0x0], $0xffff;
	v11 =	vadd.f32 v3, v11  }
0x10a: {  	v3 =	vld [tilespmem:s25+$0x0]  }
0x10b: {  	v20 =	vld.idx.msk [tilespmem:v17+s3+$0x0], $0xffff  }
0x10c: {  	v17 =	vld.idx.msk [tilespmem:v18+s3+$0x0], $0xffff  }
0x10d: {  	v15 =	vld.idx.msk [tilespmem:v14+s3+$0x0], $0xffff  }
0x10e: {  	v14 =	vld.idx.msk [tilespmem:v12+s3+$0x0], $0xffff  }
0x10f: {  	v12 =	vld.idx.msk [tilespmem:v13+s3+$0x0], $0xffff;
	v1 =	vsub.f32 v3, v1  }
0x110: {  	v7 =	vld.idx.msk [tilespmem:v7+s3+$0x0], $0xffff  }
0x111: {  	v13 =	vld.idx.msk [tilespmem:v2+s3+$0x0], $0xffff;
	v1 =	vmul.f32 v1, v1  }
0x112: {  	v2 =	vld [tilespmem:s25+$0xFFFFFF90]  }
0x113: {  	v21 =	vld [tilespmem:s25+$0xFFFFFFA0];
	v0 =	vadd.f32 v1, v0  }
.Ltmp7:
0x114: {  	v16 =	vld [tilespmem:s25+$0xFFFFFFB0];
	(pc) =	sbr.rel @p0 .LBB2_16-.Ltmp7, $4  }
0x115: {  	v18 =	vld [tilespmem:s25+$0xFFFFFFC0]  }
0x116: {  	v3 =	vld [tilespmem:s25+$0xFFFFFFD0]  }
0x117: {  	v19 =	vsub.f32 v2, v7;
	v2 =	vld [tilespmem:s25+$0xFFFFFFE0]  }
0x118: {  	s28 =	sadd.s32 $0x80, s28;
	v1 =	vsub.f32 v21, v20;
	v7 =	vld [tilespmem:s25+$0xFFFFFFF0]  }
0x119: {  	_ = 	snop  }
0x11a: {  	v19 =	vmul.f32 v19, v19  }
0x11b: {  	v16 =	vsub.f32 v16, v17;
	v15 =	vsub.f32 v18, v15  }
0x11c: {  	v62 =	vmul.f32 v1, v1;
	v1 =	vadd.f32 v19, v8;
	v3 =	vsub.f32 v3, v14  }
0x11d: {  	v8 =	vmul.f32 v16, v16;
	v12 =	vsub.f32 v2, v12;
	v7 =	vsub.f32 v7, v13  }
0x11e: {  	v2 =	vadd.f32 v62, v5;
	v5 =	vmul.f32 v15, v15;
	v63 =	vmul.f32 v3, v3  }
0x11f: {  	s25 =	simm.s32 $0x0;
	s26 =	simm.s32 $0x80;
	v3 =	vadd.f32 v8, v4;
	v8 =	vmul.f32 v12, v12;
	v7 =	vmul.f32 v7, v7  }
0x120: {  	[tilespmem:s25], [sflag:$0x1] =	stream.strided.gather [hbm4b:s9+s17], $0x18700, s18, s17, $0x38;
	v4 =	vadd.f32 v5, v6;
	v5 =	vadd.f32 v63, v10;
	[tilespmem:$0x1E780] =	vst v63  }
0x121: {  	s29 =	sadd.s32 $0x0, s10;
	s28 =	simm.s32 $0x1C800;
	s25 =	simm.s32 $0x1C700;
	v6 =	vadd.f32 v8, v9;
	v7 =	vadd.f32 v7, v11  }
.LBB2_18:
0x122: {  	[tilespmem:s25], [sflag:$0x2] =	stream.linear.gather [hbm4b:s29+s3], $0x80, $0x38;
	[tilespmem:$0x1E780] =	vst v63  }
0x123: {  	s29 =	smov.u32 s26;
	s25 =	smov.u32 s28;
	p0 =	sne.s32 s26, $0xF80  }
.Ltmp8:
0x124: {  	s26 =	sadd.s32 $0x80, s26;
	(pc) =	sbr.rel @p0 .LBB2_18-.Ltmp8, $2  }
0x125: {  	_ =	sdelay $0x2  }
0x126: {  	s28 =	sadd.s32 $0x100, s28;
	s29 =	sadd.s32 s29, s10  }
0x127: {  	[tilespmem:s25], [sflag:$0x2] =	stream.linear.gather [hbm4b:s29+s3], $0x80, $0x38;
	[tilespmem:$0x1E780] =	vst v63  }
0x128: {  	s25 =	simm.s32 $0x1C780  }
0x129: {  	s26 =	simm.s32 $0x80;
	s29 =	sadd.s32 $0x0, s11;
	s28 =	simm.s32 $0x1C880  }
.LBB2_20:
0x12a: {  	[tilespmem:s25], [sflag:$0x2] =	stream.linear.gather [hbm4b:s29+s3], $0x80, $0x38;
	[tilespmem:$0x1E780] =	vst v63  }
0x12b: {  	s29 =	smov.u32 s26;
	s25 =	smov.u32 s28;
	p0 =	sne.s32 s26, $0xF80  }
.Ltmp9:
0x12c: {  	s26 =	sadd.s32 $0x80, s26;
	(pc) =	sbr.rel @p0 .LBB2_20-.Ltmp9, $2  }
0x12d: {  	_ =	sdelay $0x2  }
0x12e: {  	s28 =	sadd.s32 $0x100, s28;
	s29 =	sadd.s32 s29, s11  }
0x12f: {  	[tilespmem:s25], [sflag:$0x2] =	stream.linear.gather [hbm4b:s29+s3], $0x80, $0x38;
	[tilespmem:$0x1E780] =	vst v63  }
0x130: {  	_ =	swait.ge [sflag:s20], $0x18700  }
0x131: {  	[sflag:s20] =	ssyncset.done $0x0  }
0x132: {  	[sflag:s20] =	ssyncadd.s32 $0xFFFE7900  }
0x133: {  	_ =	swait.ge [sflag:s21], $0x1000  }
0x134: {  	[sflag:s21] =	ssyncset.done $0x0  }
0x135: {  	s31 =	simm.s32 $0x18740;
	[sflag:s21] =	ssyncadd.s32 $0xFFFFF000  }
0x136: {  	v8 =	vld [tilespmem:s31+$0x30]  }
0x137: {  	v9 =	vld [tilespmem:s31+$0xFFFFFFD0]  }
0x138: {  	v10 =	vld [tilespmem:s31+$0xFFFFFFE0]  }
0x139: {  	v11 =	vld [tilespmem:s31+$0xFFFFFFF0]  }
0x13a: {  	v13 =	vld [tilespmem:s31+$0x0]  }
0x13b: {  	v14 =	vld [tilespmem:s31+$0x10]  }
0x13c: {  	v15 =	vld [tilespmem:s31+$0x20]  }
0x13d: {  	s25 =	simm.s32 $0x1C740;
	v16 =	vld [tilespmem:s31+$0xFFFFFFC0]  }
0x13e: {  	v18 =	vld [tilespmem:s25+$0x30]  }
0x13f: {  	v19 =	vld [tilespmem:s25+$0xFFFFFFC0]  }
0x140: {  	v17 =	vld.idx.msk [tilespmem:v8+s3+$0x0], $0xffff  }
0x141: {  	v20 =	vld.idx.msk [tilespmem:v9+s3+$0x0], $0xffff  }
0x142: {  	v12 =	vld.idx.msk [tilespmem:v10+s3+$0x0], $0xffff  }
0x143: {  	v11 =	vld.idx.msk [tilespmem:v11+s3+$0x0], $0xffff  }
0x144: {  	v10 =	vld.idx.msk [tilespmem:v13+s3+$0x0], $0xffff  }
0x145: {  	v8 =	vld.idx.msk [tilespmem:v14+s3+$0x0], $0xffff  }
0x146: {  	v14 =	vld.idx.msk [tilespmem:v16+s3+$0x0], $0xffff  }
0x147: {  	v9 =	vld.idx.msk [tilespmem:v15+s3+$0x0], $0xffff  }
0x148: {  	v13 =	vsub.f32 v18, v17;
	v18 =	vld [tilespmem:s25+$0xFFFFFFD0]  }
0x149: {  	v17 =	vld [tilespmem:s25+$0xFFFFFFE0]  }
0x14a: {  	v16 =	vld [tilespmem:s25+$0xFFFFFFF0];
	v13 =	vmul.f32 v13, v13  }
0x14b: {  	v15 =	vld [tilespmem:s25+$0x0]  }
0x14c: {  	v19 =	vsub.f32 v19, v14;
	v0 =	vadd.f32 v13, v0;
	v13 =	vld [tilespmem:s25+$0x10]  }
0x14d: {  	s26 =	simm.s32 $0x0;
	s28 =	simm.s32 $0x187C0;
	v14 =	vld [tilespmem:s25+$0x20];
	v18 =	vsub.f32 v18, v20  }
.LBB2_22:
0x14e: {  	v20 =	vld [tilespmem:s28+$0x30];
	s26 =	sadd.s32 $0x8, s26;
	v19 =	vmul.f32 v19, v19;
	v12 =	vsub.f32 v17, v12  }
0x14f: {  	v17 =	vld [tilespmem:s28+$0xFFFFFFD0];
	p0 =	slt.u32 s26, $0xF8;
	v18 =	vmul.f32 v18, v18;
	v11 =	vsub.f32 v16, v11  }
0x150: {  	v16 =	vld [tilespmem:s28+$0xFFFFFFE0];
	v1 =	vadd.f32 v19, v1;
	v12 =	vmul.f32 v12, v12;
	v10 =	vsub.f32 v15, v10  }
0x151: {  	v15 =	vld [tilespmem:s28+$0xFFFFFFF0];
	v2 =	vadd.f32 v18, v2;
	v11 =	vmul.f32 v11, v11;
	v8 =	vsub.f32 v13, v8  }
0x152: {  	v13 =	vld [tilespmem:s28+$0x0];
	v3 =	vadd.f32 v12, v3;
	v10 =	vmul.f32 v10, v10;
	v9 =	vsub.f32 v14, v9  }
0x153: {  	v14 =	vld [tilespmem:s28+$0x10];
	v4 =	vadd.f32 v11, v4;
	v8 =	vmul.f32 v8, v8  }
0x154: {  	v18 =	vld [tilespmem:s28+$0x20];
	v5 =	vadd.f32 v10, v5;
	v9 =	vmul.f32 v9, v9  }
0x155: {  	v19 =	vld [tilespmem:s28+$0xFFFFFFC0];
	v6 =	vadd.f32 v8, v6  }
0x156: {  	s25 =	sadd.s32 $0x100, s25;
	v20 =	vld.idx.msk [tilespmem:v20+s3+$0x0], $0xffff;
	v7 =	vadd.f32 v9, v7  }
0x157: {  	v9 =	vld [tilespmem:s25+$0x30]  }
0x158: {  	v21 =	vld.idx.msk [tilespmem:v17+s3+$0x0], $0xffff  }
0x159: {  	v12 =	vld.idx.msk [tilespmem:v16+s3+$0x0], $0xffff  }
0x15a: {  	v11 =	vld.idx.msk [tilespmem:v15+s3+$0x0], $0xffff  }
0x15b: {  	v10 =	vld.idx.msk [tilespmem:v13+s3+$0x0], $0xffff  }
0x15c: {  	v8 =	vld.idx.msk [tilespmem:v14+s3+$0x0], $0xffff;
	v13 =	vsub.f32 v9, v20  }
0x15d: {  	v14 =	vld.idx.msk [tilespmem:v19+s3+$0x0], $0xffff  }
0x15e: {  	v9 =	vld.idx.msk [tilespmem:v18+s3+$0x0], $0xffff;
	v13 =	vmul.f32 v13, v13  }
0x15f: {  	v18 =	vld [tilespmem:s25+$0xFFFFFFC0]  }
0x160: {  	v20 =	vld [tilespmem:s25+$0xFFFFFFD0];
	v0 =	vadd.f32 v13, v0  }
.Ltmp10:
0x161: {  	v17 =	vld [tilespmem:s25+$0xFFFFFFE0];
	(pc) =	sbr.rel @p0 .LBB2_22-.Ltmp10, $4  }
0x162: {  	v16 =	vld [tilespmem:s25+$0xFFFFFFF0]  }
0x163: {  	v15 =	vld [tilespmem:s25+$0x0]  }
0x164: {  	v19 =	vsub.f32 v18, v14;
	v13 =	vld [tilespmem:s25+$0x10]  }
0x165: {  	s28 =	sadd.s32 $0x80, s28;
	v18 =	vsub.f32 v20, v21;
	v14 =	vld [tilespmem:s25+$0x20]  }
0x166: {  	_ = 	snop  }
0x167: {  	v19 =	vmul.f32 v19, v19  }
0x168: {  	v12 =	vsub.f32 v17, v12;
	v11 =	vsub.f32 v16, v11  }
0x169: {  	v61 =	vmul.f32 v18, v18;
	v1 =	vadd.f32 v19, v1;
	v10 =	vsub.f32 v15, v10  }
0x16a: {  	v12 =	vmul.f32 v12, v12;
	v8 =	vsub.f32 v13, v8;
	v9 =	vsub.f32 v14, v9  }
0x16b: {  	v2 =	vadd.f32 v61, v2;
	v11 =	vmul.f32 v11, v11;
	v10 =	vmul.f32 v10, v10  }
0x16c: {  	v3 =	vadd.f32 v12, v3;
	v62 =	vmul.f32 v8, v8;
	v63 =	vmul.f32 v9, v9  }
0x16d: {  	s25 =	simm.s32 $0x1C700;
	v8 =	vadd.f32 v11, v4;
	v9 =	vadd.f32 v10, v5  }
0x16e: {  	s26 =	simm.s32 $0x80;
	s29 =	sadd.s32 $0x0, s12;
	s28 =	simm.s32 $0x1C800;
	v10 =	vadd.f32 v62, v6;
	v7 =	vadd.f32 v63, v7  }
.LBB2_24:
0x16f: {  	[tilespmem:s25], [sflag:$0x2] =	stream.linear.gather [hbm4b:s29+s3], $0x80, $0x38;
	[tilespmem:$0x1E780] =	vst v63  }
0x170: {  	s29 =	smov.u32 s26;
	s25 =	smov.u32 s28;
	p0 =	sne.s32 s26, $0xF80  }
.Ltmp11:
0x171: {  	s26 =	sadd.s32 $0x80, s26;
	(pc) =	sbr.rel @p0 .LBB2_24-.Ltmp11, $2  }
0x172: {  	_ =	sdelay $0x2  }
0x173: {  	s28 =	sadd.s32 $0x100, s28;
	s29 =	sadd.s32 s29, s12  }
0x174: {  	[tilespmem:s25], [sflag:$0x2] =	stream.linear.gather [hbm4b:s29+s3], $0x80, $0x38;
	[tilespmem:$0x1E780] =	vst v63  }
0x175: {  	_ =	swait.ge [sflag:s21], $0x1000  }
0x176: {  	[sflag:s21] =	ssyncset.done $0x0  }
0x177: {  	s31 =	simm.s32 $0x19770;
	[sflag:s21] =	ssyncadd.s32 $0xFFFFF000  }
0x178: {  	v4 =	vld [tilespmem:s31+$0x0]  }
0x179: {  	v5 =	vld [tilespmem:s31+$0xFFFFFFA0]  }
0x17a: {  	v6 =	vld [tilespmem:s31+$0xFFFFFFB0]  }
0x17b: {  	v11 =	vld [tilespmem:s31+$0xFFFFFFC0]  }
0x17c: {  	v12 =	vld [tilespmem:s31+$0xFFFFFFD0]  }
0x17d: {  	v14 =	vld [tilespmem:s31+$0xFFFFFFE0]  }
0x17e: {  	v15 =	vld [tilespmem:s31+$0xFFFFFFF0]  }
0x17f: {  	s25 =	simm.s32 $0x1C7F0;
	v16 =	vld [tilespmem:s31+$0xFFFFFF90]  }
0x180: {  	v18 =	vld [tilespmem:s25+$0x0]  }
0x181: {  	v19 =	vld [tilespmem:s25+$0xFFFFFF90]  }
0x182: {  	v17 =	vld.idx.msk [tilespmem:v4+s3+$0x0], $0xffff  }
0x183: {  	v20 =	vld.idx.msk [tilespmem:v5+s3+$0x0], $0xffff  }
0x184: {  	v13 =	vld.idx.msk [tilespmem:v6+s3+$0x0], $0xffff  }
0x185: {  	v5 =	vld.idx.msk [tilespmem:v11+s3+$0x0], $0xffff  }
0x186: {  	v12 =	vld.idx.msk [tilespmem:v12+s3+$0x0], $0xffff  }
0x187: {  	v4 =	vld.idx.msk [tilespmem:v14+s3+$0x0], $0xffff  }
0x188: {  	v14 =	vld.idx.msk [tilespmem:v16+s3+$0x0], $0xffff  }
0x189: {  	v6 =	vld.idx.msk [tilespmem:v15+s3+$0x0], $0xffff  }
0x18a: {  	v11 =	vsub.f32 v18, v17;
	v18 =	vld [tilespmem:s25+$0xFFFFFFA0]  }
0x18b: {  	v17 =	vld [tilespmem:s25+$0xFFFFFFB0]  }
0x18c: {  	v16 =	vld [tilespmem:s25+$0xFFFFFFC0];
	v11 =	vmul.f32 v11, v11  }
0x18d: {  	v15 =	vld [tilespmem:s25+$0xFFFFFFD0]  }
0x18e: {  	v19 =	vsub.f32 v19, v14;
	v11 =	vadd.f32 v11, v0;
	v0 =	vld [tilespmem:s25+$0xFFFFFFE0]  }
0x18f: {  	s26 =	simm.s32 $0x0;
	s28 =	simm.s32 $0x197F0;
	v14 =	vld [tilespmem:s25+$0xFFFFFFF0];
	v18 =	vsub.f32 v18, v20  }
.LBB2_26:
0x190: {  	v20 =	vld [tilespmem:s28+$0x0];
	s26 =	sadd.s32 $0x8, s26;
	v19 =	vmul.f32 v19, v19;
	v13 =	vsub.f32 v17, v13  }
0x191: {  	v17 =	vld [tilespmem:s28+$0xFFFFFFA0];
	p0 =	slt.u32 s26, $0xF8;
	v18 =	vmul.f32 v18, v18;
	v5 =	vsub.f32 v16, v5  }
0x192: {  	v16 =	vld [tilespmem:s28+$0xFFFFFFB0];
	v1 =	vadd.f32 v19, v1;
	v13 =	vmul.f32 v13, v13;
	v12 =	vsub.f32 v15, v12  }
0x193: {  	v15 =	vld [tilespmem:s28+$0xFFFFFFC0];
	v2 =	vadd.f32 v18, v2;
	v5 =	vmul.f32 v5, v5;
	v0 =	vsub.f32 v0, v4  }
0x194: {  	v4 =	vld [tilespmem:s28+$0xFFFFFFD0];
	v3 =	vadd.f32 v13, v3;
	v12 =	vmul.f32 v12, v12;
	v6 =	vsub.f32 v14, v6  }
0x195: {  	v14 =	vld [tilespmem:s28+$0xFFFFFFE0];
	v8 =	vadd.f32 v5, v8;
	v0 =	vmul.f32 v0, v0  }
0x196: {  	v18 =	vld [tilespmem:s28+$0xFFFFFFF0];
	v9 =	vadd.f32 v12, v9;
	v5 =	vmul.f32 v6, v6  }
0x197: {  	v6 =	vld [tilespmem:s28+$0xFFFFFF90];
	v10 =	vadd.f32 v0, v10  }
0x198: {  	s25 =	sadd.s32 $0x100, s25;
	v0 =	vld.idx.msk [tilespmem:v20+s3+$0x0], $0xffff;
	v7 =	vadd.f32 v5, v7  }
0x199: {  	v19 =	vld [tilespmem:s25+$0x0]  }
0x19a: {  	v20 =	vld.idx.msk [tilespmem:v17+s3+$0x0], $0xffff  }
0x19b: {  	v13 =	vld.idx.msk [tilespmem:v16+s3+$0x0], $0xffff  }
0x19c: {  	v5 =	vld.idx.msk [tilespmem:v15+s3+$0x0], $0xffff  }
0x19d: {  	v12 =	vld.idx.msk [tilespmem:v4+s3+$0x0], $0xffff  }
0x19e: {  	v4 =	vld.idx.msk [tilespmem:v14+s3+$0x0], $0xffff;
	v0 =	vsub.f32 v19, v0  }
0x19f: {  	v14 =	vld.idx.msk [tilespmem:v6+s3+$0x0], $0xffff  }
0x1a0: {  	v6 =	vld.idx.msk [tilespmem:v18+s3+$0x0], $0xffff;
	v0 =	vmul.f32 v0, v0  }
0x1a1: {  	v18 =	vld [tilespmem:s25+$0xFFFFFF90]  }
0x1a2: {  	v21 =	vld [tilespmem:s25+$0xFFFFFFA0];
	v11 =	vadd.f32 v0, v11  }
.Ltmp12:
0x1a3: {  	v17 =	vld [tilespmem:s25+$0xFFFFFFB0];
	(pc) =	sbr.rel @p0 .LBB2_26-.Ltmp12, $4  }
0x1a4: {  	v16 =	vld [tilespmem:s25+$0xFFFFFFC0]  }
0x1a5: {  	v15 =	vld [tilespmem:s25+$0xFFFFFFD0]  }
0x1a6: {  	v19 =	vsub.f32 v18, v14;
	v0 =	vld [tilespmem:s25+$0xFFFFFFE0]  }
0x1a7: {  	s28 =	sadd.s32 $0x80, s28;
	v18 =	vsub.f32 v21, v20;
	v14 =	vld [tilespmem:s25+$0xFFFFFFF0]  }
0x1a8: {  	_ = 	snop  }
0x1a9: {  	v19 =	vmul.f32 v19, v19  }
0x1aa: {  	v13 =	vsub.f32 v17, v13;
	v16 =	vsub.f32 v16, v5  }
0x1ab: {  	v60 =	vmul.f32 v18, v18;
	v5 =	vadd.f32 v19, v1;
	v1 =	vsub.f32 v15, v12  }
0x1ac: {  	v61 =	vmul.f32 v13, v13;
	v0 =	vsub.f32 v0, v4;
	v62 =	vsub.f32 v14, v6  }
0x1ad: {  	v6 =	vadd.f32 v60, v2;
	v2 =	vmul.f32 v16, v16;
	v1 =	vmul.f32 v1, v1  }
0x1ae: {  	v4 =	vadd.f32 v61, v3;
	v63 =	vmul.f32 v0, v0;
	v13 =	vmul.f32 v62, v62  }
0x1af: {  	s25 =	simm.s32 $0x1C780;
	v3 =	vadd.f32 v2, v8;
	v0 =	vadd.f32 v1, v9  }
0x1b0: {  	s26 =	simm.s32 $0x80;
	s29 =	sadd.s32 $0x0, s13;
	s28 =	simm.s32 $0x1C880;
	v2 =	vadd.f32 v63, v10;
	v1 =	vadd.f32 v13, v7  }
.LBB2_28:
0x1b1: {  	[tilespmem:s25], [sflag:$0x2] =	stream.linear.gather [hbm4b:s29+s3], $0x80, $0x38;
	[tilespmem:$0x1E780] =	vst v63  }
0x1b2: {  	s29 =	smov.u32 s26;
	s25 =	smov.u32 s28;
	p0 =	sne.s32 s26, $0xF80  }
.Ltmp13:
0x1b3: {  	s26 =	sadd.s32 $0x80, s26;
	(pc) =	sbr.rel @p0 .LBB2_28-.Ltmp13, $2  }
0x1b4: {  	_ =	sdelay $0x2  }
0x1b5: {  	s28 =	sadd.s32 $0x100, s28;
	s29 =	sadd.s32 s29, s13  }
0x1b6: {  	[tilespmem:s25], [sflag:$0x2] =	stream.linear.gather [hbm4b:s29+s3], $0x80, $0x38;
	[tilespmem:$0x1E780] =	vst v63  }
0x1b7: {  	_ =	swait.ge [sflag:s21], $0x1000  }
0x1b8: {  	[sflag:s21] =	ssyncset.done $0x0  }
0x1b9: {  	s31 =	simm.s32 $0x1A770;
	[sflag:s21] =	ssyncadd.s32 $0xFFFFF000  }
0x1ba: {  	v7 =	vld [tilespmem:s31+$0x0]  }
0x1bb: {  	v8 =	vld [tilespmem:s31+$0xFFFFFFA0]  }
0x1bc: {  	v9 =	vld [tilespmem:s31+$0xFFFFFFB0]  }
0x1bd: {  	v10 =	vld [tilespmem:s31+$0xFFFFFFC0]  }
0x1be: {  	v12 =	vld [tilespmem:s31+$0xFFFFFFD0]  }
0x1bf: {  	v13 =	vld [tilespmem:s31+$0xFFFFFFE0]  }
0x1c0: {  	v15 =	vld [tilespmem:s31+$0xFFFFFFF0]  }
0x1c1: {  	s25 =	simm.s32 $0x1C740;
	v17 =	vld [tilespmem:s31+$0xFFFFFF90]  }
0x1c2: {  	v18 =	vld [tilespmem:s25+$0x30]  }
0x1c3: {  	v22 =	vld [tilespmem:s25+$0xFFFFFFE0]  }
0x1c4: {  	v7 =	vld.idx.msk [tilespmem:v7+s3+$0x0], $0xffff  }
0x1c5: {  	v19 =	vld.idx.msk [tilespmem:v8+s3+$0x0], $0xffff  }
0x1c6: {  	v16 =	vld.idx.msk [tilespmem:v9+s3+$0x0], $0xffff  }
0x1c7: {  	v14 =	vld.idx.msk [tilespmem:v10+s3+$0x0], $0xffff  }
0x1c8: {  	v8 =	vld.idx.msk [tilespmem:v13+s3+$0x0], $0xffff  }
0x1c9: {  	v10 =	vld.idx.msk [tilespmem:v17+s3+$0x0], $0xffff  }
0x1ca: {  	v9 =	vld.idx.msk [tilespmem:v15+s3+$0x0], $0xffff  }
0x1cb: {  	v13 =	vld [tilespmem:s25+$0xFFFFFFC0]  }
0x1cc: {  	v15 =	vld [tilespmem:s25+$0xFFFFFFD0]  }
0x1cd: {  	v21 =	vld [tilespmem:s25+$0xFFFFFFF0];
	v7 =	vsub.f32 v18, v7  }
0x1ce: {  	v20 =	vld [tilespmem:s25+$0x0]  }
0x1cf: {  	v12 =	vld.idx.msk [tilespmem:v12+s3+$0x0], $0xffff;
	v7 =	vmul.f32 v7, v7  }
0x1d0: {  	v18 =	vld [tilespmem:s25+$0x10];
	v10 =	vsub.f32 v13, v10  }
0x1d1: {  	s26 =	simm.s32 $0x0;
	s28 =	simm.s32 $0x1A7F0;
	v7 =	vadd.f32 v7, v11;
	v11 =	vsub.f32 v15, v19;
	v19 =	vld [tilespmem:s25+$0x20]  }
.LBB2_30:
0x1d2: {  	v13 =	vld [tilespmem:s28+$0x0];
	s26 =	sadd.s32 $0x8, s26;
	v10 =	vmul.f32 v10, v10;
	v15 =	vsub.f32 v22, v16  }
0x1d3: {  	v16 =	vld [tilespmem:s28+$0xFFFFFFA0];
	p0 =	slt.u32 s26, $0xF8;
	v11 =	vmul.f32 v11, v11;
	v14 =	vsub.f32 v21, v14  }
0x1d4: {  	v17 =	vld [tilespmem:s28+$0xFFFFFFB0];
	v5 =	vadd.f32 v10, v5;
	v10 =	vmul.f32 v15, v15;
	v12 =	vsub.f32 v20, v12  }
0x1d5: {  	v15 =	vld [tilespmem:s28+$0xFFFFFFC0];
	v6 =	vadd.f32 v11, v6;
	v11 =	vmul.f32 v14, v14;
	v8 =	vsub.f32 v18, v8  }
0x1d6: {  	v18 =	vld [tilespmem:s28+$0xFFFFFFD0];
	v4 =	vadd.f32 v10, v4;
	v10 =	vmul.f32 v12, v12;
	v9 =	vsub.f32 v19, v9  }
0x1d7: {  	v19 =	vld [tilespmem:s28+$0xFFFFFFE0];
	v3 =	vadd.f32 v11, v3;
	v8 =	vmul.f32 v8, v8  }
0x1d8: {  	v11 =	vld [tilespmem:s28+$0xFFFFFFF0];
	v0 =	vadd.f32 v10, v0;
	v9 =	vmul.f32 v9, v9  }
0x1d9: {  	v10 =	vld [tilespmem:s28+$0xFFFFFF90];
	v2 =	vadd.f32 v8, v2  }
0x1da: {  	s25 =	sadd.s32 $0x100, s25;
	v13 =	vld.idx.msk [tilespmem:v13+s3+$0x0], $0xffff;
	v1 =	vadd.f32 v9, v1  }
0x1db: {  	v9 =	vld [tilespmem:s25+$0x30]  }
0x1dc: {  	v23 =	vld.idx.msk [tilespmem:v16+s3+$0x0], $0xffff  }
0x1dd: {  	v16 =	vld.idx.msk [tilespmem:v17+s3+$0x0], $0xffff  }
0x1de: {  	v14 =	vld.idx.msk [tilespmem:v15+s3+$0x0], $0xffff  }
0x1df: {  	v12 =	vld.idx.msk [tilespmem:v18+s3+$0x0], $0xffff  }
0x1e0: {  	v8 =	vld.idx.msk [tilespmem:v19+s3+$0x0], $0xffff;
	v13 =	vsub.f32 v9, v13  }
0x1e1: {  	v10 =	vld.idx.msk [tilespmem:v10+s3+$0x0], $0xffff  }
0x1e2: {  	v9 =	vld.idx.msk [tilespmem:v11+s3+$0x0], $0xffff;
	v11 =	vmul.f32 v13, v13  }
0x1e3: {  	v13 =	vld [tilespmem:s25+$0xFFFFFFC0]  }
0x1e4: {  	v15 =	vld [tilespmem:s25+$0xFFFFFFD0];
	v7 =	vadd.f32 v11, v7  }
.Ltmp14:
0x1e5: {  	v22 =	vld [tilespmem:s25+$0xFFFFFFE0];
	(pc) =	sbr.rel @p0 .LBB2_30-.Ltmp14, $4  }
0x1e6: {  	v21 =	vld [tilespmem:s25+$0xFFFFFFF0]  }
0x1e7: {  	v20 =	vld [tilespmem:s25+$0x0]  }
0x1e8: {  	v10 =	vsub.f32 v13, v10;
	v18 =	vld [tilespmem:s25+$0x10]  }
0x1e9: {  	s28 =	sadd.s32 $0x80, s28;
	v11 =	vsub.f32 v15, v23;
	v19 =	vld [tilespmem:s25+$0x20]  }
0x1ea: {  	_ =	swait.ge [sflag:s21], $0x1000  }
0x1eb: {  	[sflag:s21] =	ssyncset.done $0x0  }
0x1ec: {  	s25 =	simm.s32 $0x1B770;
	[sflag:s21] =	ssyncadd.s32 $0xFFFFF000  }
0x1ed: {  	v13 =	vld [tilespmem:s25+$0x0]  }
0x1ee: {  	v15 =	vld [tilespmem:s25+$0xFFFFFFA0]  }
0x1ef: {  	v17 =	vld [tilespmem:s25+$0xFFFFFFB0]  }
0x1f0: {  	v23 =	vld [tilespmem:s25+$0xFFFFFFC0]  }
0x1f1: {  	v24 =	vld [tilespmem:s25+$0xFFFFFFD0]  }
0x1f2: {  	v25 =	vld [tilespmem:s25+$0xFFFFFFE0]  }
0x1f3: {  	v26 =	vld [tilespmem:s25+$0xFFFFFFF0]  }
0x1f4: {  	v16 =	vsub.f32 v22, v16;
	v27 =	vld [tilespmem:s25+$0xFFFFFF90];
	s25 =	simm.s32 $0x1C7F0  }
0x1f5: {  	v14 =	vsub.f32 v21, v14;
	v29 =	vld [tilespmem:s25+$0x0]  }
0x1f6: {  	v16 =	vmul.f32 v16, v16;
	v8 =	vsub.f32 v18, v8;
	v18 =	vld [tilespmem:s25+$0xFFFFFF90]  }
0x1f7: {  	v12 =	vsub.f32 v20, v12;
	v14 =	vmul.f32 v14, v14;
	v20 =	vld [tilespmem:s25+$0xFFFFFFA0]  }
0x1f8: {  	v9 =	vsub.f32 v19, v9;
	v4 =	vadd.f32 v16, v4;
	v16 =	vld [tilespmem:s25+$0xFFFFFFB0]  }
0x1f9: {  	v12 =	vmul.f32 v12, v12;
	v3 =	vadd.f32 v14, v3;
	v14 =	vld [tilespmem:s25+$0xFFFFFFC0]  }
0x1fa: {  	v9 =	vmul.f32 v9, v9;
	v28 =	vld.idx.msk [tilespmem:v13+s3+$0x0], $0xffff  }
0x1fb: {  	v63 =	vmul.f32 v8, v8;
	v8 =	vadd.f32 v12, v0;
	v12 =	vld [tilespmem:s25+$0xFFFFFFD0]  }
0x1fc: {  	v1 =	vadd.f32 v9, v1;
	v9 =	vld [tilespmem:s25+$0xFFFFFFE0]  }
0x1fd: {  	v30 =	vld.idx.msk [tilespmem:v15+s3+$0x0], $0xffff  }
0x1fe: {  	v62 =	vld.idx.msk [tilespmem:v27+s3+$0x0], $0xffff  }
0x1ff: {  	v17 =	vld.idx.msk [tilespmem:v17+s3+$0x0], $0xffff;
	v19 =	vsub.f32 v29, v28  }
0x200: {  	v60 =	vmul.f32 v10, v10;
	v61 =	vmul.f32 v11, v11;
	v15 =	vld.idx.msk [tilespmem:v23+s3+$0x0], $0xffff  }
0x201: {  	v13 =	vld.idx.msk [tilespmem:v24+s3+$0x0], $0xffff;
	v19 =	vmul.f32 v19, v19  }
0x202: {  	v5 =	vadd.f32 v60, v5;
	v6 =	vadd.f32 v61, v6;
	v10 =	vld.idx.msk [tilespmem:v25+s3+$0x0], $0xffff  }
0x203: {  	v11 =	vld.idx.msk [tilespmem:v26+s3+$0x0], $0xffff;
	v0 =	vadd.f32 v19, v7;
	v19 =	vsub.f32 v18, v62  }
0x204: {  	s26 =	simm.s32 $0x0;
	s28 =	simm.s32 $0x1B7F0;
	v2 =	vadd.f32 v63, v2;
	v18 =	vsub.f32 v20, v30;
	v7 =	vld [tilespmem:s25+$0xFFFFFFF0]  }
.LBB2_32:
0x205: {  	v20 =	vld [tilespmem:s28+$0x0];
	s26 =	sadd.s32 $0x8, s26;
	v19 =	vmul.f32 v19, v19;
	v16 =	vsub.f32 v16, v17  }
0x206: {  	v17 =	vld [tilespmem:s28+$0xFFFFFFA0];
	p0 =	slt.u32 s26, $0xF8;
	v18 =	vmul.f32 v18, v18;
	v14 =	vsub.f32 v14, v15  }
0x207: {  	v15 =	vld [tilespmem:s28+$0xFFFFFFB0];
	v5 =	vadd.f32 v19, v5;
	v16 =	vmul.f32 v16, v16;
	v12 =	vsub.f32 v12, v13  }
0x208: {  	v13 =	vld [tilespmem:s28+$0xFFFFFFC0];
	v6 =	vadd.f32 v18, v6;
	v14 =	vmul.f32 v14, v14;
	v9 =	vsub.f32 v9, v10  }
0x209: {  	v10 =	vld [tilespmem:s28+$0xFFFFFFD0];
	v4 =	vadd.f32 v16, v4;
	v12 =	vmul.f32 v12, v12;
	v7 =	vsub.f32 v7, v11  }
0x20a: {  	v11 =	vld [tilespmem:s28+$0xFFFFFFE0];
	v3 =	vadd.f32 v14, v3;
	v9 =	vmul.f32 v9, v9  }
0x20b: {  	v14 =	vld [tilespmem:s28+$0xFFFFFFF0];
	v8 =	vadd.f32 v12, v8;
	v7 =	vmul.f32 v7, v7  }
0x20c: {  	v12 =	vld [tilespmem:s28+$0xFFFFFF90];
	v2 =	vadd.f32 v9, v2  }
0x20d: {  	s25 =	sadd.s32 $0x100, s25;
	v9 =	vld.idx.msk [tilespmem:v20+s3+$0x0], $0xffff;
	v1 =	vadd.f32 v7, v1  }
0x20e: {  	v7 =	vld [tilespmem:s25+$0x0]  }
0x20f: {  	v18 =	vld.idx.msk [tilespmem:v17+s3+$0x0], $0xffff  }
0x210: {  	v17 =	vld.idx.msk [tilespmem:v15+s3+$0x0], $0xffff  }
0x211: {  	v15 =	vld.idx.msk [tilespmem:v13+s3+$0x0], $0xffff  }
0x212: {  	v13 =	vld.idx.msk [tilespmem:v10+s3+$0x0], $0xffff  }
0x213: {  	v10 =	vld.idx.msk [tilespmem:v11+s3+$0x0], $0xffff;
	v7 =	vsub.f32 v7, v9  }
0x214: {  	v9 =	vld.idx.msk [tilespmem:v12+s3+$0x0], $0xffff  }
0x215: {  	v11 =	vld.idx.msk [tilespmem:v14+s3+$0x0], $0xffff;
	v7 =	vmul.f32 v7, v7  }
0x216: {  	v19 =	vld [tilespmem:s25+$0xFFFFFF90]  }
0x217: {  	v20 =	vld [tilespmem:s25+$0xFFFFFFA0];
	v0 =	vadd.f32 v7, v0  }
.Ltmp15:
0x218: {  	v16 =	vld [tilespmem:s25+$0xFFFFFFB0];
	(pc) =	sbr.rel @p0 .LBB2_32-.Ltmp15, $4  }
0x219: {  	v14 =	vld [tilespmem:s25+$0xFFFFFFC0]  }
0x21a: {  	v12 =	vld [tilespmem:s25+$0xFFFFFFD0]  }
0x21b: {  	v19 =	vsub.f32 v19, v9;
	v9 =	vld [tilespmem:s25+$0xFFFFFFE0]  }
0x21c: {  	s28 =	sadd.s32 $0x80, s28;
	v18 =	vsub.f32 v20, v18;
	v7 =	vld [tilespmem:s25+$0xFFFFFFF0]  }
0x21d: {  	_ = 	snop  }
0x21e: {  	v19 =	vmul.f32 v19, v19;
	v16 =	vsub.f32 v16, v17;
	v56 =	vmul.f32 v18, v18  }
0x21f: {  	v14 =	vsub.f32 v14, v15  }
0x220: {  	v5 =	vadd.f32 v19, v5;
	v57 =	vmul.f32 v16, v16;
	v6 =	vadd.f32 v56, v6  }
0x221: {  	v12 =	vsub.f32 v12, v13  }
0x222: {  	v58 =	vmul.f32 v14, v14;
	v4 =	vadd.f32 v57, v4;
	v5 =	vadd.f32 v6, v5  }
0x223: {  	v59 =	vsub.f32 v9, v10  }
0x224: {  	v60 =	vmul.f32 v12, v12;
	v3 =	vadd.f32 v58, v3;
	v4 =	vadd.f32 v4, v5  }
0x225: {  	v61 =	vsub.f32 v7, v11  }
0x226: {  	v6 =	vmul.f32 v59, v59;
	v62 =	vadd.f32 v60, v8;
	v3 =	vadd.f32 v3, v4;
	_ =	sdelay $0x1  }
0x227: {  	v63 =	vmul.f32 v61, v61;
	v2 =	vadd.f32 v6, v2;
	v3 =	vadd.f32 v62, v3;
	_ =	sdelay $0x1  }
0x228: {  	v1 =	vadd.f32 v63, v1;
	v2 =	vadd.f32 v2, v3;
	_ =	sdelay $0x1  }
0x229: {  	v1 =	vadd.f32 v1, v2;
	_ =	sdelay $0x1  }
0x22a: {  	s24 =	sadd.s32 $0x1, s24;
	v0 =	vadd.f32 v0, v1  }
0x22b: {  	p0 =	sne.s32 s24, s15  }
.Ltmp16:
0x22c: {  	[tilespmem:$0x1E700] =	vst v0;
	(pc) =	sbr.rel @p0 .LBB2_1-.Ltmp16, $4  }
0x22d: {  	[hbm4b:s14+s3] =	stream.linear.scatter [tilespmem:s22], [sflag:$0x4], $0x80, $0x38;
	[tilespmem:$0x1E780] =	vst v63  }
0x22e: {  	_ =	swait.ge [sflag:s23], $0x80  }
0x22f: {  	[sflag:s23] =	ssyncset.done $0x0  }
0x230: {  	[sflag:s23] =	ssyncadd.s32 $0xFFFFFF80  }
0x231: {  	_ =	sfence.sel $0x180000  }
0x232: {  	[bflag:$0x0] =	sbarrier.arrive $0xFFFF  }
0x233: {  	p0 =	sne.s32 s2, $0x0;
	_ =	strace $0x90000047  }
0x234: {  	s0 =	sadd.s32 @!p0 $0x100000, s0;
	[bflag:$0x2] =	sbarrier.arrive $0xFFFF  }
0x235: {  	[sflag:s0] =	ssyncadd.tile.s32 @!p0 $0x1;
	_ =	shalt  }
.Lfunc_end2:
_tile_overlayer_lowered:
.L_overlay_start_2:
0x236: {  	(tag) =	ssettag $0x2  }
0x237: {  	s0 =	rddreg [dreg:$0x0];
	s2 =	stileid.u32  }
0x238: {  	s1 =	rddreg [dreg:$0x1];
	p0 =	sne.s32 s2, $0x0  }
0x239: {  	s3 =	rddreg [dreg:$0x2];
	[bflag:$0x3] =	sbarrier.arrive $0xFFFF;
	s2 =	simm.s32 @!p0 $0x1C04  }
0x23a: {  	[timem:s3], [sflag:s2] =	dma.local @!p0 [hbm:s0], s1  }
0x23b: {  	s0 =	simm.s32 @!p0 $0x4  }
0x23c: {  	_ =	swait.ge @!p0 [sflag:s0], s1  }
0x23d: {  	s1 =	ssub.s32 @!p0 $0x0, s1;
	[sflag:s0] =	ssyncset.done @!p0 $0x0  }
0x23e: {  	[sflag:s0] =	ssyncadd.s32 @!p0 s1  }
0x23f: {  	[bflag:$0x3] =	sbarrier.arrive $0xFFFF  }
0x240: {  	_ =	shalt  }

</sc_bundles>
